<compile_context>
chip_gen: v7x
topology: tpu7x:2x2x1
jax: 0.10.2.dev20260603
libtpu: 0.0.44.dev20260713+nightly
codegen_flags: <defaults>
</compile_context>

<pallas_src>
import functools

import jax
import jax.numpy as jnp
from jax import lax
from jax.experimental import pallas as pl
from jax.experimental.pallas import tpu as pltpu
from jax.experimental.pallas import tpu_sc as plsc

N = 10000
E = 320000
D = 128
NC = 2
NS = 16
NW = NC * NS
C = 128
CHUNKS = 79
EPT = C * CHUNKS
EPW = E // NW
ACC_ROWS = N + 16
RPT_OFF = 624
RPT_LEN = 640


def _sc_segment_sum(h, z, src3, dst3):
  mesh = plsc.VectorSubcoreMesh(core_axis_name="c", subcore_axis_name="s",
                                num_cores=NC, num_subcores=NS)

  @functools.partial(
      pl.kernel,
      out_type=(jax.ShapeDtypeStruct((N, D), jnp.float32),
                jax.ShapeDtypeStruct((N, D), jnp.float32)),
      mesh=mesh,
      scratch_types=[
          pltpu.VMEM_SHARED((ACC_ROWS, D), jnp.float32),
          pltpu.VMEM((CHUNKS, C), jnp.int32),
          pltpu.VMEM((CHUNKS, C), jnp.int32),
          pltpu.VMEM((C, D), jnp.float32),
          pltpu.SemaphoreType.DMA,
      ],
  )
  def seg(h_hbm, z_hbm, src_hbm, dst_hbm, out0, out1,
          acc, srcv, dstv, rows, sem):
    c = lax.axis_index("c")
    s = lax.axis_index("s")
    wid = s * NC + c

    @pl.when(c == 0)
    def _():
      pltpu.sync_copy(h_hbm.at[pl.ds(s * RPT_OFF, RPT_LEN)],
                      acc.at[pl.ds(s * RPT_OFF, RPT_LEN)])

    @pl.when(c != 0)
    def _():
      pltpu.sync_copy(z_hbm.at[pl.ds(s * RPT_OFF, RPT_LEN)],
                      acc.at[pl.ds(s * RPT_OFF, RPT_LEN)])

    pltpu.sync_copy(src_hbm.at[wid], srcv)
    pltpu.sync_copy(dst_hbm.at[wid], dstv)
    plsc.subcore_barrier()

    def body(j, carry):
      pltpu.async_copy(h_hbm.at[srcv.at[j]], rows, sem).wait()
      pltpu.sync_copy(rows, acc.at[dstv.at[j]], add=True)
      return carry

    lax.fori_loop(0, CHUNKS, body, 0)
    plsc.subcore_barrier()

    @pl.when(c == 0)
    def _():
      pltpu.sync_copy(acc.at[pl.ds(s * RPT_OFF, RPT_LEN)],
                      out0.at[pl.ds(s * RPT_OFF, RPT_LEN)])

    @pl.when(c != 0)
    def _():
      pltpu.sync_copy(acc.at[pl.ds(s * RPT_OFF, RPT_LEN)],
                      out1.at[pl.ds(s * RPT_OFF, RPT_LEN)])

  return seg(h, z, src3, dst3)


def _tc_layer_body(a0, a1, w1, b1, g1, be1, w2, b2, ga, ba, go, bo, out):
  def bn_relu(x, g, b):
    mu = jnp.mean(x, axis=0, keepdims=True)
    xc = x - mu
    var = jnp.mean(xc * xc, axis=0, keepdims=True)
    return jnp.maximum(g[...] * xc * lax.rsqrt(var + 1e-5) + b[...], 0.0)

  hl = a0[...] + a1[...]
  x = jnp.dot(hl, w1[...], preferred_element_type=jnp.float32) + b1[...]
  x = bn_relu(x, g1, be1)
  x = jnp.dot(x, w2[...], preferred_element_type=jnp.float32) + b2[...]
  x = bn_relu(x, ga, ba)
  out[...] = bn_relu(x, go, bo)


def _tc_layer(a0, a1, w1, b1, g1, be1, w2, b2, ga, ba, go, bo):
  vecs = [v.reshape(1, D) for v in (b1, g1, be1, b2, ga, ba, go, bo)]
  return pl.pallas_call(
      _tc_layer_body,
      out_shape=jax.ShapeDtypeStruct((N, D), jnp.float32),
  )(a0, a1, w1, vecs[0], vecs[1], vecs[2], w2, vecs[3], vecs[4], vecs[5],
    vecs[6], vecs[7])


def kernel(h, edge_index,
           W1_0, b1_0, g1_0, be1_0, W2_0, b2_0, ga_0, ba_0, go_0, bo_0,
           W1_1, b1_1, g1_1, be1_1, W2_1, b2_1, ga_1, ba_1, go_1, bo_1):
  padw = EPT - EPW
  src2 = edge_index[0].reshape(NW, EPW)
  dst2 = edge_index[1].reshape(NW, EPW)
  junk = N + (jnp.arange(NW, dtype=jnp.int32) >> 1)
  src3 = jnp.pad(src2, ((0, 0), (0, padw))).reshape(NW, CHUNKS, C)
  dst3 = jnp.concatenate(
      [dst2, jnp.broadcast_to(junk[:, None], (NW, padw))],
      axis=1).reshape(NW, CHUNKS, C)
  z = jnp.zeros((N, D), jnp.float32)

  params = [
      (W1_0, b1_0, g1_0, be1_0, W2_0, b2_0, ga_0, ba_0, go_0, bo_0),
      (W1_1, b1_1, g1_1, be1_1, W2_1, b2_1, ga_1, ba_1, go_1, bo_1),
  ]
  x = h
  for l in range(2):
    p0, p1 = _sc_segment_sum(x, z, src3, dst3)
    x = _tc_layer(p0, p1, *params[l])
  return x

# --- scband reference (transcript-rebuilt; emitter-appended) ---
"""Pipeline reference for scband-gin-5944234737805 (READ-ONLY COPY).

The authoritative reference and input builder live on the scoring server;
editing this copy changes nothing except your own understanding.
"""

import jax, jax.numpy as jnp
import numpy as np

N, E, D, H, L = 10000, 320000, 128, 128, 2


def _bn(x, g, b):
    mu = jnp.mean(x, axis=0)
    var = jnp.var(x, axis=0)
    return g * (x - mu) / jnp.sqrt(var + 1e-5) + b


def setup_inputs(seed=0):
    key = jax.random.key(seed)
    k0, k1, k = jax.random.split(key, 3)
    inp = {}
    inp['h'] = jax.random.normal(k0, (N, D), dtype=jnp.float32)
    inp['edge_index'] = jax.random.randint(k1, (2, E), 0, N, dtype=jnp.int32)
    for l in range(L):
        din = D if l == 0 else H
        k, ka, kb = jax.random.split(k, 3)
        inp['W1_%d' % l] = jax.random.normal(ka, (din, H), dtype=jnp.float32) * 0.05
        inp['b1_%d' % l] = jnp.zeros((H,), dtype=jnp.float32)
        inp['g1_%d' % l] = jnp.ones((H,), dtype=jnp.float32)
        inp['be1_%d' % l] = jnp.zeros((H,), dtype=jnp.float32)
        inp['W2_%d' % l] = jax.random.normal(kb, (H, H), dtype=jnp.float32) * 0.05
        inp['b2_%d' % l] = jnp.zeros((H,), dtype=jnp.float32)
        inp['ga_%d' % l] = jnp.ones((H,), dtype=jnp.float32)
        inp['ba_%d' % l] = jnp.zeros((H,), dtype=jnp.float32)
        inp['go_%d' % l] = jnp.ones((H,), dtype=jnp.float32)
        inp['bo_%d' % l] = jnp.zeros((H,), dtype=jnp.float32)
    return inp


def _gin_forward(h, params, edge_index):
    # GIN with neighbor_pooling_type='sum', learn_eps=False (eps=0)
    src = edge_index[0]
    dst = edge_index[1]
    for l in range(L):
        # message passing: sum aggregate neighbor features (scatter-add)
        agg = jax.ops.segment_sum(h[src], dst, num_segments=N)
        hl = (1.0 + 0.0) * h + agg
        # ApplyNodeFunc: MLP (2 layers) -> BN -> ReLU
        h1 = hl @ params['W1_%d' % l] + params['b1_%d' % l]
        h1 = jax.nn.relu(_bn(h1, params['g1_%d' % l], params['be1_%d' % l]))
        h2 = h1 @ params['W2_%d' % l] + params['b2_%d' % l]
        h2 = jax.nn.relu(_bn(h2, params['ga_%d' % l], params['ba_%d' % l]))
        # outer per-layer BN + ReLU in GIN.forward
        h = jax.nn.relu(_bn(h2, params['go_%d' % l], params['bo_%d' % l]))
    return h


def reference(h, edge_index,
              W1_0, b1_0, g1_0, be1_0, W2_0, b2_0, ga_0, ba_0, go_0, bo_0,
              W1_1, b1_1, g1_1, be1_1, W2_1, b2_1, ga_1, ba_1, go_1, bo_1):
    params = {
        'W1_0': W1_0, 'b1_0': b1_0, 'g1_0': g1_0, 'be1_0': be1_0,
        'W2_0': W2_0, 'b2_0': b2_0, 'ga_0': ga_0, 'ba_0': ba_0,
        'go_0': go_0, 'bo_0': bo_0,
        'W1_1': W1_1, 'b1_1': b1_1, 'g1_1': g1_1, 'be1_1': be1_1,
        'W2_1': W2_1, 'b2_1': b2_1, 'ga_1': ga_1, 'ba_1': ba_1,
        'go_1': go_1, 'bo_1': bo_1,
    }
    return _gin_forward(h, params, edge_index)

if __name__ == "__main__":
    import jax
    _d = setup_inputs()
    print(jax.jit(kernel)(*tuple(_d.values())))

</pallas_src>

<mosaic_0001>
#map = affine_map<(d0, d1) -> (0, 0)>
#map1 = affine_map<(d0, d1) -> (0, 0, 0)>
module attributes {stable_mosaic.version = 14 : i64} {
  func.func @seg(%arg0: i32, %arg1: i32, %arg2: memref<10000x128xf32, #tpu.memory_space<hbm>>, %arg3: memref<10000x128xf32, #tpu.memory_space<hbm>>, %arg4: memref<32x79x128xi32, #tpu.memory_space<hbm>>, %arg5: memref<32x79x128xi32, #tpu.memory_space<hbm>>, %arg6: memref<10000x128xf32, #tpu.memory_space<hbm>>, %arg7: memref<10000x128xf32, #tpu.memory_space<hbm>>, %arg8: memref<10016x128xf32, #tpu.memory_space<vmem_shared>>, %arg9: memref<79x128xi32, #tpu.memory_space<vmem>>, %arg10: memref<79x128xi32, #tpu.memory_space<vmem>>, %arg11: memref<128x128xf32, #tpu.memory_space<vmem>>, %arg12: memref<!tpu.dma_semaphore, #tpu.memory_space<semaphore_mem>>) attributes {dimension_semantics = [#tpu.dimension_semantics<core_parallel>, #tpu.dimension_semantics<subcore_parallel>], iteration_bounds = array<i64: 2, 16>, scalar_prefetch = 0 : i64, scratch_operands = 5 : i64, tpu.core_type = #tpu.core_type<sc_vector_subcore>, window_params = [{transform_indices = #map}, {transform_indices = #map}, {transform_indices = #map1}, {transform_indices = #map1}, {transform_indices = #map}, {transform_indices = #map}]} {
    %mul3A = arith.constant 2 : i32
    %mul3A_0 = arith.muli %arg1, %mul3A : i32
    %add3A = arith.addi %mul3A_0, %arg0 : i32
    %eq3A = arith.constant 0 : i32
    %eq3A_1 = arith.cmpi eq, %arg0, %eq3A : i32
    %convert_element_type3A = arith.extui %eq3A_1 : i1 to i32
    %cond3A = arith.constant 0 : i32
    %cond3A_2 = arith.cmpi ne, %convert_element_type3A, %cond3A : i32
    scf.if %cond3A_2 {
      %mul3A_23 = arith.constant 624 : i32
      %mul3A_24 = arith.muli %arg1, %mul3A_23 : i32
      %mul3A_25 = arith.constant 624 : i32
      %mul3A_26 = arith.muli %arg1, %mul3A_25 : i32
      "tpu.region"() ({
        %run_scoped3A = tpu.sem_alloc : memref<!tpu.dma_semaphore, #tpu.memory_space<semaphore_mem>>
        %dma_start3A = arith.constant 0 : i32
        %dma_start3A_27 = tpu.memref_slice %arg8[%mul3A_26, %dma_start3A] : memref<10016x128xf32, #tpu.memory_space<vmem_shared>> -> memref<640x128xf32, #tpu.memory_space<vmem_shared>>
        %dma_start3A_28 = arith.constant 0 : i32
        %dma_start3A_29 = tpu.memref_slice %arg2[%mul3A_24, %dma_start3A_28] : memref<10000x128xf32, #tpu.memory_space<hbm>> -> memref<640x128xf32, #tpu.memory_space<hbm>>
        tpu.enqueue_dma source(%dma_start3A_29 : memref<640x128xf32, #tpu.memory_space<hbm>>) target(%dma_start3A_27 : memref<640x128xf32, #tpu.memory_space<vmem_shared>>) target_semaphore(%run_scoped3A : memref<!tpu.dma_semaphore, #tpu.memory_space<semaphore_mem>>)
        %dma_wait3A = arith.constant 0 : i32
        %dma_wait3A_30 = tpu.memref_slice %arg8[%mul3A_26, %dma_wait3A] : memref<10016x128xf32, #tpu.memory_space<vmem_shared>> -> memref<640x128xf32, #tpu.memory_space<vmem_shared>>
        %dma_wait3A_31 = arith.constant 0 : i32
        %dma_wait3A_32 = tpu.memref_slice %arg2[%mul3A_24, %dma_wait3A_31] : memref<10000x128xf32, #tpu.memory_space<hbm>> -> memref<640x128xf32, #tpu.memory_space<hbm>>
        tpu.wait_dma2 semaphore(%run_scoped3A : memref<!tpu.dma_semaphore, #tpu.memory_space<semaphore_mem>>) src(%dma_wait3A_32 : memref<640x128xf32, #tpu.memory_space<hbm>>) dst(%dma_wait3A_30 : memref<640x128xf32, #tpu.memory_space<vmem_shared>>)
        tpu.yield
      }) : () -> ()
    } else {
    }
    %ne3A = arith.constant 0 : i32
    %ne3A_3 = arith.cmpi ne, %arg0, %ne3A : i32
    %convert_element_type3A_4 = arith.extui %ne3A_3 : i1 to i32
    %cond3A_5 = arith.constant 0 : i32
    %cond3A_6 = arith.cmpi ne, %convert_element_type3A_4, %cond3A_5 : i32
    scf.if %cond3A_6 {
      %mul3A_23 = arith.constant 624 : i32
      %mul3A_24 = arith.muli %arg1, %mul3A_23 : i32
      %mul3A_25 = arith.constant 624 : i32
      %mul3A_26 = arith.muli %arg1, %mul3A_25 : i32
      "tpu.region"() ({
        %run_scoped3A = tpu.sem_alloc : memref<!tpu.dma_semaphore, #tpu.memory_space<semaphore_mem>>
        %dma_start3A = arith.constant 0 : i32
        %dma_start3A_27 = tpu.memref_slice %arg8[%mul3A_26, %dma_start3A] : memref<10016x128xf32, #tpu.memory_space<vmem_shared>> -> memref<640x128xf32, #tpu.memory_space<vmem_shared>>
        %dma_start3A_28 = arith.constant 0 : i32
        %dma_start3A_29 = tpu.memref_slice %arg3[%mul3A_24, %dma_start3A_28] : memref<10000x128xf32, #tpu.memory_space<hbm>> -> memref<640x128xf32, #tpu.memory_space<hbm>>
        tpu.enqueue_dma source(%dma_start3A_29 : memref<640x128xf32, #tpu.memory_space<hbm>>) target(%dma_start3A_27 : memref<640x128xf32, #tpu.memory_space<vmem_shared>>) target_semaphore(%run_scoped3A : memref<!tpu.dma_semaphore, #tpu.memory_space<semaphore_mem>>)
        %dma_wait3A = arith.constant 0 : i32
        %dma_wait3A_30 = tpu.memref_slice %arg8[%mul3A_26, %dma_wait3A] : memref<10016x128xf32, #tpu.memory_space<vmem_shared>> -> memref<640x128xf32, #tpu.memory_space<vmem_shared>>
        %dma_wait3A_31 = arith.constant 0 : i32
        %dma_wait3A_32 = tpu.memref_slice %arg3[%mul3A_24, %dma_wait3A_31] : memref<10000x128xf32, #tpu.memory_space<hbm>> -> memref<640x128xf32, #tpu.memory_space<hbm>>
        tpu.wait_dma2 semaphore(%run_scoped3A : memref<!tpu.dma_semaphore, #tpu.memory_space<semaphore_mem>>) src(%dma_wait3A_32 : memref<640x128xf32, #tpu.memory_space<hbm>>) dst(%dma_wait3A_30 : memref<640x128xf32, #tpu.memory_space<vmem_shared>>)
        tpu.yield
      }) : () -> ()
    } else {
    }
    "tpu.region"() ({
      %run_scoped3A = tpu.sem_alloc : memref<!tpu.dma_semaphore, #tpu.memory_space<semaphore_mem>>
      %dma_start3A = arith.constant 0 : i32
      %dma_start3A_23 = arith.constant 0 : i32
      %dma_start3A_24 = tpu.memref_slice %arg4[%add3A, %dma_start3A, %dma_start3A_23] : memref<32x79x128xi32, #tpu.memory_space<hbm>> -> memref<1x79x128xi32, #tpu.memory_space<hbm>>
      %dma_start3A_25 = tpu.memref_squeeze %dma_start3A_24 : memref<1x79x128xi32, #tpu.memory_space<hbm>> -> memref<79x128xi32, #tpu.memory_space<hbm>>
      %dma_start3A_26 = arith.constant 0 : i32
      %dma_start3A_27 = arith.constant 0 : i32
      %dma_start3A_28 = tpu.memref_slice %arg4[%add3A, %dma_start3A_26, %dma_start3A_27] : memref<32x79x128xi32, #tpu.memory_space<hbm>> -> memref<1x79x128xi32, #tpu.memory_space<hbm>>
      %dma_start3A_29 = tpu.memref_squeeze %dma_start3A_28 : memref<1x79x128xi32, #tpu.memory_space<hbm>> -> memref<79x128xi32, #tpu.memory_space<hbm>>
      tpu.enqueue_dma source(%dma_start3A_29 : memref<79x128xi32, #tpu.memory_space<hbm>>) target(%arg9 : memref<79x128xi32, #tpu.memory_space<vmem>>) target_semaphore(%run_scoped3A : memref<!tpu.dma_semaphore, #tpu.memory_space<semaphore_mem>>)
      %dma_wait3A = arith.constant 0 : i32
      %dma_wait3A_30 = arith.constant 0 : i32
      %dma_wait3A_31 = tpu.memref_slice %arg4[%add3A, %dma_wait3A, %dma_wait3A_30] : memref<32x79x128xi32, #tpu.memory_space<hbm>> -> memref<1x79x128xi32, #tpu.memory_space<hbm>>
      %dma_wait3A_32 = tpu.memref_squeeze %dma_wait3A_31 : memref<1x79x128xi32, #tpu.memory_space<hbm>> -> memref<79x128xi32, #tpu.memory_space<hbm>>
      %dma_wait3A_33 = arith.constant 0 : i32
      %dma_wait3A_34 = arith.constant 0 : i32
      %dma_wait3A_35 = tpu.memref_slice %arg4[%add3A, %dma_wait3A_33, %dma_wait3A_34] : memref<32x79x128xi32, #tpu.memory_space<hbm>> -> memref<1x79x128xi32, #tpu.memory_space<hbm>>
      %dma_wait3A_36 = tpu.memref_squeeze %dma_wait3A_35 : memref<1x79x128xi32, #tpu.memory_space<hbm>> -> memref<79x128xi32, #tpu.memory_space<hbm>>
      tpu.wait_dma2 semaphore(%run_scoped3A : memref<!tpu.dma_semaphore, #tpu.memory_space<semaphore_mem>>) src(%dma_wait3A_36 : memref<79x128xi32, #tpu.memory_space<hbm>>) dst(%arg9 : memref<79x128xi32, #tpu.memory_space<vmem>>)
      tpu.yield
    }) : () -> ()
    "tpu.region"() ({
      %run_scoped3A = tpu.sem_alloc : memref<!tpu.dma_semaphore, #tpu.memory_space<semaphore_mem>>
      %dma_start3A = arith.constant 0 : i32
      %dma_start3A_23 = arith.constant 0 : i32
      %dma_start3A_24 = tpu.memref_slice %arg5[%add3A, %dma_start3A, %dma_start3A_23] : memref<32x79x128xi32, #tpu.memory_space<hbm>> -> memref<1x79x128xi32, #tpu.memory_space<hbm>>
      %dma_start3A_25 = tpu.memref_squeeze %dma_start3A_24 : memref<1x79x128xi32, #tpu.memory_space<hbm>> -> memref<79x128xi32, #tpu.memory_space<hbm>>
      %dma_start3A_26 = arith.constant 0 : i32
      %dma_start3A_27 = arith.constant 0 : i32
      %dma_start3A_28 = tpu.memref_slice %arg5[%add3A, %dma_start3A_26, %dma_start3A_27] : memref<32x79x128xi32, #tpu.memory_space<hbm>> -> memref<1x79x128xi32, #tpu.memory_space<hbm>>
      %dma_start3A_29 = tpu.memref_squeeze %dma_start3A_28 : memref<1x79x128xi32, #tpu.memory_space<hbm>> -> memref<79x128xi32, #tpu.memory_space<hbm>>
      tpu.enqueue_dma source(%dma_start3A_29 : memref<79x128xi32, #tpu.memory_space<hbm>>) target(%arg10 : memref<79x128xi32, #tpu.memory_space<vmem>>) target_semaphore(%run_scoped3A : memref<!tpu.dma_semaphore, #tpu.memory_space<semaphore_mem>>)
      %dma_wait3A = arith.constant 0 : i32
      %dma_wait3A_30 = arith.constant 0 : i32
      %dma_wait3A_31 = tpu.memref_slice %arg5[%add3A, %dma_wait3A, %dma_wait3A_30] : memref<32x79x128xi32, #tpu.memory_space<hbm>> -> memref<1x79x128xi32, #tpu.memory_space<hbm>>
      %dma_wait3A_32 = tpu.memref_squeeze %dma_wait3A_31 : memref<1x79x128xi32, #tpu.memory_space<hbm>> -> memref<79x128xi32, #tpu.memory_space<hbm>>
      %dma_wait3A_33 = arith.constant 0 : i32
      %dma_wait3A_34 = arith.constant 0 : i32
      %dma_wait3A_35 = tpu.memref_slice %arg5[%add3A, %dma_wait3A_33, %dma_wait3A_34] : memref<32x79x128xi32, #tpu.memory_space<hbm>> -> memref<1x79x128xi32, #tpu.memory_space<hbm>>
      %dma_wait3A_36 = tpu.memref_squeeze %dma_wait3A_35 : memref<1x79x128xi32, #tpu.memory_space<hbm>> -> memref<79x128xi32, #tpu.memory_space<hbm>>
      tpu.wait_dma2 semaphore(%run_scoped3A : memref<!tpu.dma_semaphore, #tpu.memory_space<semaphore_mem>>) src(%dma_wait3A_36 : memref<79x128xi32, #tpu.memory_space<hbm>>) dst(%arg10 : memref<79x128xi32, #tpu.memory_space<vmem>>)
      tpu.yield
    }) : () -> ()
    %barrier3A = arith.constant 0 : index
    tpu.barrier barrier_id(%barrier3A)
    %scan3A = arith.constant 0 : i32
    %scan3A_7 = arith.constant 0 : i32
    %scan3A_8 = arith.constant 79 : i32
    %scan3A_9 = arith.addi %scan3A_7, %scan3A_8 : i32
    %scan3A_10 = arith.constant 1 : i32
    scf.for %scan3A_23 = %scan3A_7 to %scan3A_9 step %scan3A_10  : i32 {
      %dma_start3A = arith.constant 0 : i32
      %dma_start3A_24 = tpu.memref_slice %arg9[%scan3A_23, %dma_start3A] : memref<79x128xi32, #tpu.memory_space<vmem>> -> memref<1x128xi32, #tpu.memory_space<vmem>>
      %dma_start3A_25 = tpu.memref_squeeze %dma_start3A_24 : memref<1x128xi32, #tpu.memory_space<vmem>> -> memref<128xi32, #tpu.memory_space<vmem>>
      %dma_start3A_26 = arith.constant 0 : i32
      %dma_start3A_27 = arith.constant 0 : i32
      %dma_start3A_28 = tpu.memref_slice %arg2[%dma_start3A_26, %dma_start3A_27] : memref<10000x128xf32, #tpu.memory_space<hbm>> -> memref<10000x128xf32, #tpu.memory_space<hbm>>
      tpu.enqueue_indirect_dma source(%dma_start3A_28 : memref<10000x128xf32, #tpu.memory_space<hbm>>) target(%arg11 : memref<128x128xf32, #tpu.memory_space<vmem>>) offsets(%dma_start3A_25 : memref<128xi32, #tpu.memory_space<vmem>>) semaphore(%arg12 : memref<!tpu.dma_semaphore, #tpu.memory_space<semaphore_mem>>)
      %dma_wait3A = arith.constant 0 : i32
      %dma_wait3A_29 = tpu.memref_slice %arg9[%scan3A_23, %dma_wait3A] : memref<79x128xi32, #tpu.memory_space<vmem>> -> memref<1x128xi32, #tpu.memory_space<vmem>>
      %dma_wait3A_30 = tpu.memref_squeeze %dma_wait3A_29 : memref<1x128xi32, #tpu.memory_space<vmem>> -> memref<128xi32, #tpu.memory_space<vmem>>
      %dma_wait3A_31 = arith.constant 0 : i32
      %dma_wait3A_32 = arith.constant 0 : i32
      %dma_wait3A_33 = tpu.memref_slice %arg2[%dma_wait3A_31, %dma_wait3A_32] : memref<10000x128xf32, #tpu.memory_space<hbm>> -> memref<10000x128xf32, #tpu.memory_space<hbm>>
      tpu.wait_indirect_dma semaphore(%arg12 : memref<!tpu.dma_semaphore, #tpu.memory_space<semaphore_mem>>) src(%dma_wait3A_33 : memref<10000x128xf32, #tpu.memory_space<hbm>>) dst(%arg11 : memref<128x128xf32, #tpu.memory_space<vmem>>)
      "tpu.region"() ({
        %run_scoped3A = tpu.sem_alloc : memref<!tpu.dma_semaphore, #tpu.memory_space<semaphore_mem>>
        %dma_start3A_34 = arith.constant 0 : i32
        %dma_start3A_35 = tpu.memref_slice %arg10[%scan3A_23, %dma_start3A_34] : memref<79x128xi32, #tpu.memory_space<vmem>> -> memref<1x128xi32, #tpu.memory_space<vmem>>
        %dma_start3A_36 = tpu.memref_squeeze %dma_start3A_35 : memref<1x128xi32, #tpu.memory_space<vmem>> -> memref<128xi32, #tpu.memory_space<vmem>>
        %dma_start3A_37 = arith.constant 0 : i32
        %dma_start3A_38 = arith.constant 0 : i32
        %dma_start3A_39 = tpu.memref_slice %arg8[%dma_start3A_37, %dma_start3A_38] : memref<10016x128xf32, #tpu.memory_space<vmem_shared>> -> memref<10016x128xf32, #tpu.memory_space<vmem_shared>>
        tpu.enqueue_indirect_dma source(%arg11 : memref<128x128xf32, #tpu.memory_space<vmem>>) target(%dma_start3A_39 : memref<10016x128xf32, #tpu.memory_space<vmem_shared>>) offsets(%dma_start3A_36 : memref<128xi32, #tpu.memory_space<vmem>>) semaphore(%run_scoped3A : memref<!tpu.dma_semaphore, #tpu.memory_space<semaphore_mem>>) {add = true}
        %dma_wait3A_40 = arith.constant 0 : i32
        %dma_wait3A_41 = tpu.memref_slice %arg10[%scan3A_23, %dma_wait3A_40] : memref<79x128xi32, #tpu.memory_space<vmem>> -> memref<1x128xi32, #tpu.memory_space<vmem>>
        %dma_wait3A_42 = tpu.memref_squeeze %dma_wait3A_41 : memref<1x128xi32, #tpu.memory_space<vmem>> -> memref<128xi32, #tpu.memory_space<vmem>>
        %dma_wait3A_43 = arith.constant 0 : i32
        %dma_wait3A_44 = arith.constant 0 : i32
        %dma_wait3A_45 = tpu.memref_slice %arg8[%dma_wait3A_43, %dma_wait3A_44] : memref<10016x128xf32, #tpu.memory_space<vmem_shared>> -> memref<10016x128xf32, #tpu.memory_space<vmem_shared>>
        tpu.wait_indirect_dma semaphore(%run_scoped3A : memref<!tpu.dma_semaphore, #tpu.memory_space<semaphore_mem>>) src(%arg11 : memref<128x128xf32, #tpu.memory_space<vmem>>) dst(%dma_wait3A_45 : memref<10016x128xf32, #tpu.memory_space<vmem_shared>>)
        tpu.yield
      }) : () -> ()
    }
    %scan3A_11 = arith.constant 79 : i32
    %barrier3A_12 = arith.constant 0 : index
    tpu.barrier barrier_id(%barrier3A_12)
    %eq3A_13 = arith.constant 0 : i32
    %eq3A_14 = arith.cmpi eq, %arg0, %eq3A_13 : i32
    %convert_element_type3A_15 = arith.extui %eq3A_14 : i1 to i32
    %cond3A_16 = arith.constant 0 : i32
    %cond3A_17 = arith.cmpi ne, %convert_element_type3A_15, %cond3A_16 : i32
    scf.if %cond3A_17 {
      %mul3A_23 = arith.constant 624 : i32
      %mul3A_24 = arith.muli %arg1, %mul3A_23 : i32
      %mul3A_25 = arith.constant 624 : i32
      %mul3A_26 = arith.muli %arg1, %mul3A_25 : i32
      "tpu.region"() ({
        %run_scoped3A = tpu.sem_alloc : memref<!tpu.dma_semaphore, #tpu.memory_space<semaphore_mem>>
        %dma_start3A = arith.constant 0 : i32
        %dma_start3A_27 = tpu.memref_slice %arg6[%mul3A_26, %dma_start3A] : memref<10000x128xf32, #tpu.memory_space<hbm>> -> memref<640x128xf32, #tpu.memory_space<hbm>>
        %dma_start3A_28 = arith.constant 0 : i32
        %dma_start3A_29 = tpu.memref_slice %arg8[%mul3A_24, %dma_start3A_28] : memref<10016x128xf32, #tpu.memory_space<vmem_shared>> -> memref<640x128xf32, #tpu.memory_space<vmem_shared>>
        tpu.enqueue_dma source(%dma_start3A_29 : memref<640x128xf32, #tpu.memory_space<vmem_shared>>) target(%dma_start3A_27 : memref<640x128xf32, #tpu.memory_space<hbm>>) target_semaphore(%run_scoped3A : memref<!tpu.dma_semaphore, #tpu.memory_space<semaphore_mem>>)
        %dma_wait3A = arith.constant 0 : i32
        %dma_wait3A_30 = tpu.memref_slice %arg6[%mul3A_26, %dma_wait3A] : memref<10000x128xf32, #tpu.memory_space<hbm>> -> memref<640x128xf32, #tpu.memory_space<hbm>>
        %dma_wait3A_31 = arith.constant 0 : i32
        %dma_wait3A_32 = tpu.memref_slice %arg8[%mul3A_24, %dma_wait3A_31] : memref<10016x128xf32, #tpu.memory_space<vmem_shared>> -> memref<640x128xf32, #tpu.memory_space<vmem_shared>>
        tpu.wait_dma2 semaphore(%run_scoped3A : memref<!tpu.dma_semaphore, #tpu.memory_space<semaphore_mem>>) src(%dma_wait3A_32 : memref<640x128xf32, #tpu.memory_space<vmem_shared>>) dst(%dma_wait3A_30 : memref<640x128xf32, #tpu.memory_space<hbm>>)
        tpu.yield
      }) : () -> ()
    } else {
    }
    %ne3A_18 = arith.constant 0 : i32
    %ne3A_19 = arith.cmpi ne, %arg0, %ne3A_18 : i32
    %convert_element_type3A_20 = arith.extui %ne3A_19 : i1 to i32
    %cond3A_21 = arith.constant 0 : i32
    %cond3A_22 = arith.cmpi ne, %convert_element_type3A_20, %cond3A_21 : i32
    scf.if %cond3A_22 {
      %mul3A_23 = arith.constant 624 : i32
      %mul3A_24 = arith.muli %arg1, %mul3A_23 : i32
      %mul3A_25 = arith.constant 624 : i32
      %mul3A_26 = arith.muli %arg1, %mul3A_25 : i32
      "tpu.region"() ({
        %run_scoped3A = tpu.sem_alloc : memref<!tpu.dma_semaphore, #tpu.memory_space<semaphore_mem>>
        %dma_start3A = arith.constant 0 : i32
        %dma_start3A_27 = tpu.memref_slice %arg7[%mul3A_26, %dma_start3A] : memref<10000x128xf32, #tpu.memory_space<hbm>> -> memref<640x128xf32, #tpu.memory_space<hbm>>
        %dma_start3A_28 = arith.constant 0 : i32
        %dma_start3A_29 = tpu.memref_slice %arg8[%mul3A_24, %dma_start3A_28] : memref<10016x128xf32, #tpu.memory_space<vmem_shared>> -> memref<640x128xf32, #tpu.memory_space<vmem_shared>>
        tpu.enqueue_dma source(%dma_start3A_29 : memref<640x128xf32, #tpu.memory_space<vmem_shared>>) target(%dma_start3A_27 : memref<640x128xf32, #tpu.memory_space<hbm>>) target_semaphore(%run_scoped3A : memref<!tpu.dma_semaphore, #tpu.memory_space<semaphore_mem>>)
        %dma_wait3A = arith.constant 0 : i32
        %dma_wait3A_30 = tpu.memref_slice %arg7[%mul3A_26, %dma_wait3A] : memref<10000x128xf32, #tpu.memory_space<hbm>> -> memref<640x128xf32, #tpu.memory_space<hbm>>
        %dma_wait3A_31 = arith.constant 0 : i32
        %dma_wait3A_32 = tpu.memref_slice %arg8[%mul3A_24, %dma_wait3A_31] : memref<10016x128xf32, #tpu.memory_space<vmem_shared>> -> memref<640x128xf32, #tpu.memory_space<vmem_shared>>
        tpu.wait_dma2 semaphore(%run_scoped3A : memref<!tpu.dma_semaphore, #tpu.memory_space<semaphore_mem>>) src(%dma_wait3A_32 : memref<640x128xf32, #tpu.memory_space<vmem_shared>>) dst(%dma_wait3A_30 : memref<640x128xf32, #tpu.memory_space<hbm>>)
        tpu.yield
      }) : () -> ()
    } else {
    }
    return
  }
}

#map = affine_map<(d0, d1) -> (0, 0)>
#map1 = affine_map<(d0, d1) -> (0, 0, 0)>
module attributes {stable_mosaic.version = 14 : i64} {
  func.func @seg(%arg0: i32, %arg1: i32, %arg2: memref<10000x128xf32, #tpu.memory_space<hbm>>, %arg3: memref<10000x128xf32, #tpu.memory_space<hbm>>, %arg4: memref<32x79x128xi32, #tpu.memory_space<hbm>>, %arg5: memref<32x79x128xi32, #tpu.memory_space<hbm>>, %arg6: memref<10000x128xf32, #tpu.memory_space<hbm>>, %arg7: memref<10000x128xf32, #tpu.memory_space<hbm>>, %arg8: memref<10016x128xf32, #tpu.memory_space<vmem_shared>>, %arg9: memref<79x128xi32, #tpu.memory_space<vmem>>, %arg10: memref<79x128xi32, #tpu.memory_space<vmem>>, %arg11: memref<128x128xf32, #tpu.memory_space<vmem>>, %arg12: memref<!tpu.dma_semaphore, #tpu.memory_space<semaphore_mem>>) attributes {dimension_semantics = [#tpu.dimension_semantics<core_parallel>, #tpu.dimension_semantics<subcore_parallel>], iteration_bounds = array<i64: 2, 16>, scalar_prefetch = 0 : i64, scratch_operands = 5 : i64, tpu.core_type = #tpu.core_type<sc_vector_subcore>, window_params = [{transform_indices = #map}, {transform_indices = #map}, {transform_indices = #map1}, {transform_indices = #map1}, {transform_indices = #map}, {transform_indices = #map}]} {
    %mul3A = arith.constant 2 : i32
    %mul3A_0 = arith.muli %arg1, %mul3A : i32
    %add3A = arith.addi %mul3A_0, %arg0 : i32
    %eq3A = arith.constant 0 : i32
    %eq3A_1 = arith.cmpi eq, %arg0, %eq3A : i32
    %convert_element_type3A = arith.extui %eq3A_1 : i1 to i32
    %cond3A = arith.constant 0 : i32
    %cond3A_2 = arith.cmpi ne, %convert_element_type3A, %cond3A : i32
    scf.if %cond3A_2 {
      %mul3A_23 = arith.constant 624 : i32
      %mul3A_24 = arith.muli %arg1, %mul3A_23 : i32
      %mul3A_25 = arith.constant 624 : i32
      %mul3A_26 = arith.muli %arg1, %mul3A_25 : i32
      "tpu.region"() ({
        %run_scoped3A = tpu.sem_alloc : memref<!tpu.dma_semaphore, #tpu.memory_space<semaphore_mem>>
        %dma_start3A = arith.constant 0 : i32
        %dma_start3A_27 = tpu.memref_slice %arg8[%mul3A_26, %dma_start3A] : memref<10016x128xf32, #tpu.memory_space<vmem_shared>> -> memref<640x128xf32, #tpu.memory_space<vmem_shared>>
        %dma_start3A_28 = arith.constant 0 : i32
        %dma_start3A_29 = tpu.memref_slice %arg2[%mul3A_24, %dma_start3A_28] : memref<10000x128xf32, #tpu.memory_space<hbm>> -> memref<640x128xf32, #tpu.memory_space<hbm>>
        tpu.enqueue_dma source(%dma_start3A_29 : memref<640x128xf32, #tpu.memory_space<hbm>>) target(%dma_start3A_27 : memref<640x128xf32, #tpu.memory_space<vmem_shared>>) target_semaphore(%run_scoped3A : memref<!tpu.dma_semaphore, #tpu.memory_space<semaphore_mem>>)
        %dma_wait3A = arith.constant 0 : i32
        %dma_wait3A_30 = tpu.memref_slice %arg8[%mul3A_26, %dma_wait3A] : memref<10016x128xf32, #tpu.memory_space<vmem_shared>> -> memref<640x128xf32, #tpu.memory_space<vmem_shared>>
        %dma_wait3A_31 = arith.constant 0 : i32
        %dma_wait3A_32 = tpu.memref_slice %arg2[%mul3A_24, %dma_wait3A_31] : memref<10000x128xf32, #tpu.memory_space<hbm>> -> memref<640x128xf32, #tpu.memory_space<hbm>>
        tpu.wait_dma2 semaphore(%run_scoped3A : memref<!tpu.dma_semaphore, #tpu.memory_space<semaphore_mem>>) src(%dma_wait3A_32 : memref<640x128xf32, #tpu.memory_space<hbm>>) dst(%dma_wait3A_30 : memref<640x128xf32, #tpu.memory_space<vmem_shared>>)
        tpu.yield
      }) : () -> ()
    } else {
    }
    %ne3A = arith.constant 0 : i32
    %ne3A_3 = arith.cmpi ne, %arg0, %ne3A : i32
    %convert_element_type3A_4 = arith.extui %ne3A_3 : i1 to i32
    %cond3A_5 = arith.constant 0 : i32
    %cond3A_6 = arith.cmpi ne, %convert_element_type3A_4, %cond3A_5 : i32
    scf.if %cond3A_6 {
      %mul3A_23 = arith.constant 624 : i32
      %mul3A_24 = arith.muli %arg1, %mul3A_23 : i32
      %mul3A_25 = arith.constant 624 : i32
      %mul3A_26 = arith.muli %arg1, %mul3A_25 : i32
      "tpu.region"() ({
        %run_scoped3A = tpu.sem_alloc : memref<!tpu.dma_semaphore, #tpu.memory_space<semaphore_mem>>
        %dma_start3A = arith.constant 0 : i32
        %dma_start3A_27 = tpu.memref_slice %arg8[%mul3A_26, %dma_start3A] : memref<10016x128xf32, #tpu.memory_space<vmem_shared>> -> memref<640x128xf32, #tpu.memory_space<vmem_shared>>
        %dma_start3A_28 = arith.constant 0 : i32
        %dma_start3A_29 = tpu.memref_slice %arg3[%mul3A_24, %dma_start3A_28] : memref<10000x128xf32, #tpu.memory_space<hbm>> -> memref<640x128xf32, #tpu.memory_space<hbm>>
        tpu.enqueue_dma source(%dma_start3A_29 : memref<640x128xf32, #tpu.memory_space<hbm>>) target(%dma_start3A_27 : memref<640x128xf32, #tpu.memory_space<vmem_shared>>) target_semaphore(%run_scoped3A : memref<!tpu.dma_semaphore, #tpu.memory_space<semaphore_mem>>)
        %dma_wait3A = arith.constant 0 : i32
        %dma_wait3A_30 = tpu.memref_slice %arg8[%mul3A_26, %dma_wait3A] : memref<10016x128xf32, #tpu.memory_space<vmem_shared>> -> memref<640x128xf32, #tpu.memory_space<vmem_shared>>
        %dma_wait3A_31 = arith.constant 0 : i32
        %dma_wait3A_32 = tpu.memref_slice %arg3[%mul3A_24, %dma_wait3A_31] : memref<10000x128xf32, #tpu.memory_space<hbm>> -> memref<640x128xf32, #tpu.memory_space<hbm>>
        tpu.wait_dma2 semaphore(%run_scoped3A : memref<!tpu.dma_semaphore, #tpu.memory_space<semaphore_mem>>) src(%dma_wait3A_32 : memref<640x128xf32, #tpu.memory_space<hbm>>) dst(%dma_wait3A_30 : memref<640x128xf32, #tpu.memory_space<vmem_shared>>)
        tpu.yield
      }) : () -> ()
    } else {
    }
    "tpu.region"() ({
      %run_scoped3A = tpu.sem_alloc : memref<!tpu.dma_semaphore, #tpu.memory_space<semaphore_mem>>
      %dma_start3A = arith.constant 0 : i32
      %dma_start3A_23 = arith.constant 0 : i32
      %dma_start3A_24 = tpu.memref_slice %arg4[%add3A, %dma_start3A, %dma_start3A_23] : memref<32x79x128xi32, #tpu.memory_space<hbm>> -> memref<1x79x128xi32, #tpu.memory_space<hbm>>
      %dma_start3A_25 = tpu.memref_squeeze %dma_start3A_24 : memref<1x79x128xi32, #tpu.memory_space<hbm>> -> memref<79x128xi32, #tpu.memory_space<hbm>>
      %dma_start3A_26 = arith.constant 0 : i32
      %dma_start3A_27 = arith.constant 0 : i32
      %dma_start3A_28 = tpu.memref_slice %arg4[%add3A, %dma_start3A_26, %dma_start3A_27] : memref<32x79x128xi32, #tpu.memory_space<hbm>> -> memref<1x79x128xi32, #tpu.memory_space<hbm>>
      %dma_start3A_29 = tpu.memref_squeeze %dma_start3A_28 : memref<1x79x128xi32, #tpu.memory_space<hbm>> -> memref<79x128xi32, #tpu.memory_space<hbm>>
      tpu.enqueue_dma source(%dma_start3A_29 : memref<79x128xi32, #tpu.memory_space<hbm>>) target(%arg9 : memref<79x128xi32, #tpu.memory_space<vmem>>) target_semaphore(%run_scoped3A : memref<!tpu.dma_semaphore, #tpu.memory_space<semaphore_mem>>)
      %dma_wait3A = arith.constant 0 : i32
      %dma_wait3A_30 = arith.constant 0 : i32
      %dma_wait3A_31 = tpu.memref_slice %arg4[%add3A, %dma_wait3A, %dma_wait3A_30] : memref<32x79x128xi32, #tpu.memory_space<hbm>> -> memref<1x79x128xi32, #tpu.memory_space<hbm>>
      %dma_wait3A_32 = tpu.memref_squeeze %dma_wait3A_31 : memref<1x79x128xi32, #tpu.memory_space<hbm>> -> memref<79x128xi32, #tpu.memory_space<hbm>>
      %dma_wait3A_33 = arith.constant 0 : i32
      %dma_wait3A_34 = arith.constant 0 : i32
      %dma_wait3A_35 = tpu.memref_slice %arg4[%add3A, %dma_wait3A_33, %dma_wait3A_34] : memref<32x79x128xi32, #tpu.memory_space<hbm>> -> memref<1x79x128xi32, #tpu.memory_space<hbm>>
      %dma_wait3A_36 = tpu.memref_squeeze %dma_wait3A_35 : memref<1x79x128xi32, #tpu.memory_space<hbm>> -> memref<79x128xi32, #tpu.memory_space<hbm>>
      tpu.wait_dma2 semaphore(%run_scoped3A : memref<!tpu.dma_semaphore, #tpu.memory_space<semaphore_mem>>) src(%dma_wait3A_36 : memref<79x128xi32, #tpu.memory_space<hbm>>) dst(%arg9 : memref<79x128xi32, #tpu.memory_space<vmem>>)
      tpu.yield
    }) : () -> ()
    "tpu.region"() ({
      %run_scoped3A = tpu.sem_alloc : memref<!tpu.dma_semaphore, #tpu.memory_space<semaphore_mem>>
      %dma_start3A = arith.constant 0 : i32
      %dma_start3A_23 = arith.constant 0 : i32
      %dma_start3A_24 = tpu.memref_slice %arg5[%add3A, %dma_start3A, %dma_start3A_23] : memref<32x79x128xi32, #tpu.memory_space<hbm>> -> memref<1x79x128xi32, #tpu.memory_space<hbm>>
      %dma_start3A_25 = tpu.memref_squeeze %dma_start3A_24 : memref<1x79x128xi32, #tpu.memory_space<hbm>> -> memref<79x128xi32, #tpu.memory_space<hbm>>
      %dma_start3A_26 = arith.constant 0 : i32
      %dma_start3A_27 = arith.constant 0 : i32
      %dma_start3A_28 = tpu.memref_slice %arg5[%add3A, %dma_start3A_26, %dma_start3A_27] : memref<32x79x128xi32, #tpu.memory_space<hbm>> -> memref<1x79x128xi32, #tpu.memory_space<hbm>>
      %dma_start3A_29 = tpu.memref_squeeze %dma_start3A_28 : memref<1x79x128xi32, #tpu.memory_space<hbm>> -> memref<79x128xi32, #tpu.memory_space<hbm>>
      tpu.enqueue_dma source(%dma_start3A_29 : memref<79x128xi32, #tpu.memory_space<hbm>>) target(%arg10 : memref<79x128xi32, #tpu.memory_space<vmem>>) target_semaphore(%run_scoped3A : memref<!tpu.dma_semaphore, #tpu.memory_space<semaphore_mem>>)
      %dma_wait3A = arith.constant 0 : i32
      %dma_wait3A_30 = arith.constant 0 : i32
      %dma_wait3A_31 = tpu.memref_slice %arg5[%add3A, %dma_wait3A, %dma_wait3A_30] : memref<32x79x128xi32, #tpu.memory_space<hbm>> -> memref<1x79x128xi32, #tpu.memory_space<hbm>>
      %dma_wait3A_32 = tpu.memref_squeeze %dma_wait3A_31 : memref<1x79x128xi32, #tpu.memory_space<hbm>> -> memref<79x128xi32, #tpu.memory_space<hbm>>
      %dma_wait3A_33 = arith.constant 0 : i32
      %dma_wait3A_34 = arith.constant 0 : i32
      %dma_wait3A_35 = tpu.memref_slice %arg5[%add3A, %dma_wait3A_33, %dma_wait3A_34] : memref<32x79x128xi32, #tpu.memory_space<hbm>> -> memref<1x79x128xi32, #tpu.memory_space<hbm>>
      %dma_wait3A_36 = tpu.memref_squeeze %dma_wait3A_35 : memref<1x79x128xi32, #tpu.memory_space<hbm>> -> memref<79x128xi32, #tpu.memory_space<hbm>>
      tpu.wait_dma2 semaphore(%run_scoped3A : memref<!tpu.dma_semaphore, #tpu.memory_space<semaphore_mem>>) src(%dma_wait3A_36 : memref<79x128xi32, #tpu.memory_space<hbm>>) dst(%arg10 : memref<79x128xi32, #tpu.memory_space<vmem>>)
      tpu.yield
    }) : () -> ()
    %barrier3A = arith.constant 0 : index
    tpu.barrier barrier_id(%barrier3A)
    %scan3A = arith.constant 0 : i32
    %scan3A_7 = arith.constant 0 : i32
    %scan3A_8 = arith.constant 79 : i32
    %scan3A_9 = arith.addi %scan3A_7, %scan3A_8 : i32
    %scan3A_10 = arith.constant 1 : i32
    scf.for %scan3A_23 = %scan3A_7 to %scan3A_9 step %scan3A_10  : i32 {
      %dma_start3A = arith.constant 0 : i32
      %dma_start3A_24 = tpu.memref_slice %arg9[%scan3A_23, %dma_start3A] : memref<79x128xi32, #tpu.memory_space<vmem>> -> memref<1x128xi32, #tpu.memory_space<vmem>>
      %dma_start3A_25 = tpu.memref_squeeze %dma_start3A_24 : memref<1x128xi32, #tpu.memory_space<vmem>> -> memref<128xi32, #tpu.memory_space<vmem>>
      %dma_start3A_26 = arith.constant 0 : i32
      %dma_start3A_27 = arith.constant 0 : i32
      %dma_start3A_28 = tpu.memref_slice %arg2[%dma_start3A_26, %dma_start3A_27] : memref<10000x128xf32, #tpu.memory_space<hbm>> -> memref<10000x128xf32, #tpu.memory_space<hbm>>
      tpu.enqueue_indirect_dma source(%dma_start3A_28 : memref<10000x128xf32, #tpu.memory_space<hbm>>) target(%arg11 : memref<128x128xf32, #tpu.memory_space<vmem>>) offsets(%dma_start3A_25 : memref<128xi32, #tpu.memory_space<vmem>>) semaphore(%arg12 : memref<!tpu.dma_semaphore, #tpu.memory_space<semaphore_mem>>)
      %dma_wait3A = arith.constant 0 : i32
      %dma_wait3A_29 = tpu.memref_slice %arg9[%scan3A_23, %dma_wait3A] : memref<79x128xi32, #tpu.memory_space<vmem>> -> memref<1x128xi32, #tpu.memory_space<vmem>>
      %dma_wait3A_30 = tpu.memref_squeeze %dma_wait3A_29 : memref<1x128xi32, #tpu.memory_space<vmem>> -> memref<128xi32, #tpu.memory_space<vmem>>
      %dma_wait3A_31 = arith.constant 0 : i32
      %dma_wait3A_32 = arith.constant 0 : i32
      %dma_wait3A_33 = tpu.memref_slice %arg2[%dma_wait3A_31, %dma_wait3A_32] : memref<10000x128xf32, #tpu.memory_space<hbm>> -> memref<10000x128xf32, #tpu.memory_space<hbm>>
      tpu.wait_indirect_dma semaphore(%arg12 : memref<!tpu.dma_semaphore, #tpu.memory_space<semaphore_mem>>) src(%dma_wait3A_33 : memref<10000x128xf32, #tpu.memory_space<hbm>>) dst(%arg11 : memref<128x128xf32, #tpu.memory_space<vmem>>)
      "tpu.region"() ({
        %run_scoped3A = tpu.sem_alloc : memref<!tpu.dma_semaphore, #tpu.memory_space<semaphore_mem>>
        %dma_start3A_34 = arith.constant 0 : i32
        %dma_start3A_35 = tpu.memref_slice %arg10[%scan3A_23, %dma_start3A_34] : memref<79x128xi32, #tpu.memory_space<vmem>> -> memref<1x128xi32, #tpu.memory_space<vmem>>
        %dma_start3A_36 = tpu.memref_squeeze %dma_start3A_35 : memref<1x128xi32, #tpu.memory_space<vmem>> -> memref<128xi32, #tpu.memory_space<vmem>>
        %dma_start3A_37 = arith.constant 0 : i32
        %dma_start3A_38 = arith.constant 0 : i32
        %dma_start3A_39 = tpu.memref_slice %arg8[%dma_start3A_37, %dma_start3A_38] : memref<10016x128xf32, #tpu.memory_space<vmem_shared>> -> memref<10016x128xf32, #tpu.memory_space<vmem_shared>>
        tpu.enqueue_indirect_dma source(%arg11 : memref<128x128xf32, #tpu.memory_space<vmem>>) target(%dma_start3A_39 : memref<10016x128xf32, #tpu.memory_space<vmem_shared>>) offsets(%dma_start3A_36 : memref<128xi32, #tpu.memory_space<vmem>>) semaphore(%run_scoped3A : memref<!tpu.dma_semaphore, #tpu.memory_space<semaphore_mem>>) {add = true}
        %dma_wait3A_40 = arith.constant 0 : i32
        %dma_wait3A_41 = tpu.memref_slice %arg10[%scan3A_23, %dma_wait3A_40] : memref<79x128xi32, #tpu.memory_space<vmem>> -> memref<1x128xi32, #tpu.memory_space<vmem>>
        %dma_wait3A_42 = tpu.memref_squeeze %dma_wait3A_41 : memref<1x128xi32, #tpu.memory_space<vmem>> -> memref<128xi32, #tpu.memory_space<vmem>>
        %dma_wait3A_43 = arith.constant 0 : i32
        %dma_wait3A_44 = arith.constant 0 : i32
        %dma_wait3A_45 = tpu.memref_slice %arg8[%dma_wait3A_43, %dma_wait3A_44] : memref<10016x128xf32, #tpu.memory_space<vmem_shared>> -> memref<10016x128xf32, #tpu.memory_space<vmem_shared>>
        tpu.wait_indirect_dma semaphore(%run_scoped3A : memref<!tpu.dma_semaphore, #tpu.memory_space<semaphore_mem>>) src(%arg11 : memref<128x128xf32, #tpu.memory_space<vmem>>) dst(%dma_wait3A_45 : memref<10016x128xf32, #tpu.memory_space<vmem_shared>>)
        tpu.yield
      }) : () -> ()
    }
    %scan3A_11 = arith.constant 79 : i32
    %barrier3A_12 = arith.constant 0 : index
    tpu.barrier barrier_id(%barrier3A_12)
    %eq3A_13 = arith.constant 0 : i32
    %eq3A_14 = arith.cmpi eq, %arg0, %eq3A_13 : i32
    %convert_element_type3A_15 = arith.extui %eq3A_14 : i1 to i32
    %cond3A_16 = arith.constant 0 : i32
    %cond3A_17 = arith.cmpi ne, %convert_element_type3A_15, %cond3A_16 : i32
    scf.if %cond3A_17 {
      %mul3A_23 = arith.constant 624 : i32
      %mul3A_24 = arith.muli %arg1, %mul3A_23 : i32
      %mul3A_25 = arith.constant 624 : i32
      %mul3A_26 = arith.muli %arg1, %mul3A_25 : i32
      "tpu.region"() ({
        %run_scoped3A = tpu.sem_alloc : memref<!tpu.dma_semaphore, #tpu.memory_space<semaphore_mem>>
        %dma_start3A = arith.constant 0 : i32
        %dma_start3A_27 = tpu.memref_slice %arg6[%mul3A_26, %dma_start3A] : memref<10000x128xf32, #tpu.memory_space<hbm>> -> memref<640x128xf32, #tpu.memory_space<hbm>>
        %dma_start3A_28 = arith.constant 0 : i32
        %dma_start3A_29 = tpu.memref_slice %arg8[%mul3A_24, %dma_start3A_28] : memref<10016x128xf32, #tpu.memory_space<vmem_shared>> -> memref<640x128xf32, #tpu.memory_space<vmem_shared>>
        tpu.enqueue_dma source(%dma_start3A_29 : memref<640x128xf32, #tpu.memory_space<vmem_shared>>) target(%dma_start3A_27 : memref<640x128xf32, #tpu.memory_space<hbm>>) target_semaphore(%run_scoped3A : memref<!tpu.dma_semaphore, #tpu.memory_space<semaphore_mem>>)
        %dma_wait3A = arith.constant 0 : i32
        %dma_wait3A_30 = tpu.memref_slice %arg6[%mul3A_26, %dma_wait3A] : memref<10000x128xf32, #tpu.memory_space<hbm>> -> memref<640x128xf32, #tpu.memory_space<hbm>>
        %dma_wait3A_31 = arith.constant 0 : i32
        %dma_wait3A_32 = tpu.memref_slice %arg8[%mul3A_24, %dma_wait3A_31] : memref<10016x128xf32, #tpu.memory_space<vmem_shared>> -> memref<640x128xf32, #tpu.memory_space<vmem_shared>>
        tpu.wait_dma2 semaphore(%run_scoped3A : memref<!tpu.dma_semaphore, #tpu.memory_space<semaphore_mem>>) src(%dma_wait3A_32 : memref<640x128xf32, #tpu.memory_space<vmem_shared>>) dst(%dma_wait3A_30 : memref<640x128xf32, #tpu.memory_space<hbm>>)
        tpu.yield
      }) : () -> ()
    } else {
    }
    %ne3A_18 = arith.constant 0 : i32
    %ne3A_19 = arith.cmpi ne, %arg0, %ne3A_18 : i32
    %convert_element_type3A_20 = arith.extui %ne3A_19 : i1 to i32
    %cond3A_21 = arith.constant 0 : i32
    %cond3A_22 = arith.cmpi ne, %convert_element_type3A_20, %cond3A_21 : i32
    scf.if %cond3A_22 {
      %mul3A_23 = arith.constant 624 : i32
      %mul3A_24 = arith.muli %arg1, %mul3A_23 : i32
      %mul3A_25 = arith.constant 624 : i32
      %mul3A_26 = arith.muli %arg1, %mul3A_25 : i32
      "tpu.region"() ({
        %run_scoped3A = tpu.sem_alloc : memref<!tpu.dma_semaphore, #tpu.memory_space<semaphore_mem>>
        %dma_start3A = arith.constant 0 : i32
        %dma_start3A_27 = tpu.memref_slice %arg7[%mul3A_26, %dma_start3A] : memref<10000x128xf32, #tpu.memory_space<hbm>> -> memref<640x128xf32, #tpu.memory_space<hbm>>
        %dma_start3A_28 = arith.constant 0 : i32
        %dma_start3A_29 = tpu.memref_slice %arg8[%mul3A_24, %dma_start3A_28] : memref<10016x128xf32, #tpu.memory_space<vmem_shared>> -> memref<640x128xf32, #tpu.memory_space<vmem_shared>>
        tpu.enqueue_dma source(%dma_start3A_29 : memref<640x128xf32, #tpu.memory_space<vmem_shared>>) target(%dma_start3A_27 : memref<640x128xf32, #tpu.memory_space<hbm>>) target_semaphore(%run_scoped3A : memref<!tpu.dma_semaphore, #tpu.memory_space<semaphore_mem>>)
        %dma_wait3A = arith.constant 0 : i32
        %dma_wait3A_30 = tpu.memref_slice %arg7[%mul3A_26, %dma_wait3A] : memref<10000x128xf32, #tpu.memory_space<hbm>> -> memref<640x128xf32, #tpu.memory_space<hbm>>
        %dma_wait3A_31 = arith.constant 0 : i32
        %dma_wait3A_32 = tpu.memref_slice %arg8[%mul3A_24, %dma_wait3A_31] : memref<10016x128xf32, #tpu.memory_space<vmem_shared>> -> memref<640x128xf32, #tpu.memory_space<vmem_shared>>
        tpu.wait_dma2 semaphore(%run_scoped3A : memref<!tpu.dma_semaphore, #tpu.memory_space<semaphore_mem>>) src(%dma_wait3A_32 : memref<640x128xf32, #tpu.memory_space<vmem_shared>>) dst(%dma_wait3A_30 : memref<640x128xf32, #tpu.memory_space<hbm>>)
        tpu.yield
      }) : () -> ()
    } else {
    }
    return
  }
}

module attributes {stable_mosaic.version = 14 : i64} {
  func.func @_tc_layer_body(%arg0: memref<10000x128xf32, #tpu.memory_space<vmem>>, %arg1: memref<10000x128xf32, #tpu.memory_space<vmem>>, %arg2: memref<128x128xf32, #tpu.memory_space<vmem>>, %arg3: memref<1x128xf32, #tpu.memory_space<vmem>>, %arg4: memref<1x128xf32, #tpu.memory_space<vmem>>, %arg5: memref<1x128xf32, #tpu.memory_space<vmem>>, %arg6: memref<128x128xf32, #tpu.memory_space<vmem>>, %arg7: memref<1x128xf32, #tpu.memory_space<vmem>>, %arg8: memref<1x128xf32, #tpu.memory_space<vmem>>, %arg9: memref<1x128xf32, #tpu.memory_space<vmem>>, %arg10: memref<1x128xf32, #tpu.memory_space<vmem>>, %arg11: memref<1x128xf32, #tpu.memory_space<vmem>>, %arg12: memref<10000x128xf32, #tpu.memory_space<vmem>>) attributes {dimension_semantics = [], scalar_prefetch = 0 : i64, scratch_operands = 0 : i64, tpu.core_type = #tpu.core_type<tc>} {
    %get3A = arith.constant 0 : index
    %get3A_0 = arith.constant 0 : index
    %get3A_1 = vector.load %arg0[%get3A, %get3A_0] : memref<10000x128xf32, #tpu.memory_space<vmem>>, vector<10000x128xf32>
    %get3A_2 = arith.constant 0 : index
    %get3A_3 = arith.constant 0 : index
    %get3A_4 = vector.load %arg1[%get3A_2, %get3A_3] : memref<10000x128xf32, #tpu.memory_space<vmem>>, vector<10000x128xf32>
    %add3A = arith.addf %get3A_1, %get3A_4 : vector<10000x128xf32>
    %get3A_5 = arith.constant 0 : index
    %get3A_6 = arith.constant 0 : index
    %get3A_7 = vector.load %arg2[%get3A_5, %get3A_6] : memref<128x128xf32, #tpu.memory_space<vmem>>, vector<128x128xf32>
    %dot_general3A = arith.constant dense<0.000000e+00> : vector<10000x128xf32>
    %dot_general3A_8 = tpu.matmul %add3A, %get3A_7, %dot_general3A {dimension_numbers = #tpu.dot_dimension_numbers<[1], [0], [0], [1], [0, 0, 1, 1], [], []>, transpose_lhs_hint = false} : vector<10000x128xf32>, vector<128x128xf32>, vector<10000x128xf32> -> vector<10000x128xf32>
    %get3A_9 = arith.constant 0 : index
    %get3A_10 = arith.constant 0 : index
    %get3A_11 = vector.load %arg3[%get3A_9, %get3A_10] : memref<1x128xf32, #tpu.memory_space<vmem>>, vector<1x128xf32>
    %add3A_12 = vector.broadcast %get3A_11 : vector<1x128xf32> to vector<10000x128xf32>
    %add3A_13 = arith.addf %dot_general3A_8, %add3A_12 : vector<10000x128xf32>
    %reduce_sum3A = arith.constant dense<0.000000e+00> : vector<128xf32>
    %reduce_sum3A_14 = vector.multi_reduction <add>, %add3A_13, %reduce_sum3A [0] : vector<10000x128xf32> to vector<128xf32>
    %broadcast_in_dim3A = vector.shape_cast %reduce_sum3A_14 : vector<128xf32> to vector<1x128xf32>
    %div3A = arith.constant 1.000000e+04 : f32
    %div3A_15 = vector.broadcast %div3A : f32 to vector<1x128xf32>
    %div3A_16 = arith.divf %broadcast_in_dim3A, %div3A_15 : vector<1x128xf32>
    %sub3A = vector.broadcast %div3A_16 : vector<1x128xf32> to vector<10000x128xf32>
    %sub3A_17 = arith.subf %add3A_13, %sub3A : vector<10000x128xf32>
    %mul3A = arith.mulf %sub3A_17, %sub3A_17 : vector<10000x128xf32>
    %reduce_sum3A_18 = arith.constant dense<0.000000e+00> : vector<128xf32>
    %reduce_sum3A_19 = vector.multi_reduction <add>, %mul3A, %reduce_sum3A_18 [0] : vector<10000x128xf32> to vector<128xf32>
    %broadcast_in_dim3A_20 = vector.shape_cast %reduce_sum3A_19 : vector<128xf32> to vector<1x128xf32>
    %div3A_21 = arith.constant 1.000000e+04 : f32
    %div3A_22 = vector.broadcast %div3A_21 : f32 to vector<1x128xf32>
    %div3A_23 = arith.divf %broadcast_in_dim3A_20, %div3A_22 : vector<1x128xf32>
    %get3A_24 = arith.constant 0 : index
    %get3A_25 = arith.constant 0 : index
    %get3A_26 = vector.load %arg4[%get3A_24, %get3A_25] : memref<1x128xf32, #tpu.memory_space<vmem>>, vector<1x128xf32>
    %mul3A_27 = vector.broadcast %get3A_26 : vector<1x128xf32> to vector<10000x128xf32>
    %mul3A_28 = arith.mulf %mul3A_27, %sub3A_17 : vector<10000x128xf32>
    %add3A_29 = arith.constant 9.99999974E-6 : f32
    %add3A_30 = vector.broadcast %add3A_29 : f32 to vector<1x128xf32>
    %add3A_31 = arith.addf %div3A_23, %add3A_30 : vector<1x128xf32>
    %rsqrt3A = math.rsqrt %add3A_31 : vector<1x128xf32>
    %mul3A_32 = vector.broadcast %rsqrt3A : vector<1x128xf32> to vector<10000x128xf32>
    %mul3A_33 = arith.mulf %mul3A_28, %mul3A_32 : vector<10000x128xf32>
    %get3A_34 = arith.constant 0 : index
    %get3A_35 = arith.constant 0 : index
    %get3A_36 = vector.load %arg5[%get3A_34, %get3A_35] : memref<1x128xf32, #tpu.memory_space<vmem>>, vector<1x128xf32>
    %add3A_37 = vector.broadcast %get3A_36 : vector<1x128xf32> to vector<10000x128xf32>
    %add3A_38 = arith.addf %mul3A_33, %add3A_37 : vector<10000x128xf32>
    %max3A = arith.constant 0.000000e+00 : f32
    %max3A_39 = vector.broadcast %max3A : f32 to vector<10000x128xf32>
    %max3A_40 = arith.maximumf %add3A_38, %max3A_39 : vector<10000x128xf32>
    %get3A_41 = arith.constant 0 : index
    %get3A_42 = arith.constant 0 : index
    %get3A_43 = vector.load %arg6[%get3A_41, %get3A_42] : memref<128x128xf32, #tpu.memory_space<vmem>>, vector<128x128xf32>
    %dot_general3A_44 = arith.constant dense<0.000000e+00> : vector<10000x128xf32>
    %dot_general3A_45 = tpu.matmul %max3A_40, %get3A_43, %dot_general3A_44 {dimension_numbers = #tpu.dot_dimension_numbers<[1], [0], [0], [1], [0, 0, 1, 1], [], []>, transpose_lhs_hint = false} : vector<10000x128xf32>, vector<128x128xf32>, vector<10000x128xf32> -> vector<10000x128xf32>
    %get3A_46 = arith.constant 0 : index
    %get3A_47 = arith.constant 0 : index
    %get3A_48 = vector.load %arg7[%get3A_46, %get3A_47] : memref<1x128xf32, #tpu.memory_space<vmem>>, vector<1x128xf32>
    %add3A_49 = vector.broadcast %get3A_48 : vector<1x128xf32> to vector<10000x128xf32>
    %add3A_50 = arith.addf %dot_general3A_45, %add3A_49 : vector<10000x128xf32>
    %reduce_sum3A_51 = arith.constant dense<0.000000e+00> : vector<128xf32>
    %reduce_sum3A_52 = vector.multi_reduction <add>, %add3A_50, %reduce_sum3A_51 [0] : vector<10000x128xf32> to vector<128xf32>
    %broadcast_in_dim3A_53 = vector.shape_cast %reduce_sum3A_52 : vector<128xf32> to vector<1x128xf32>
    %div3A_54 = arith.constant 1.000000e+04 : f32
    %div3A_55 = vector.broadcast %div3A_54 : f32 to vector<1x128xf32>
    %div3A_56 = arith.divf %broadcast_in_dim3A_53, %div3A_55 : vector<1x128xf32>
    %sub3A_57 = vector.broadcast %div3A_56 : vector<1x128xf32> to vector<10000x128xf32>
    %sub3A_58 = arith.subf %add3A_50, %sub3A_57 : vector<10000x128xf32>
    %mul3A_59 = arith.mulf %sub3A_58, %sub3A_58 : vector<10000x128xf32>
    %reduce_sum3A_60 = arith.constant dense<0.000000e+00> : vector<128xf32>
    %reduce_sum3A_61 = vector.multi_reduction <add>, %mul3A_59, %reduce_sum3A_60 [0] : vector<10000x128xf32> to vector<128xf32>
    %broadcast_in_dim3A_62 = vector.shape_cast %reduce_sum3A_61 : vector<128xf32> to vector<1x128xf32>
    %div3A_63 = arith.constant 1.000000e+04 : f32
    %div3A_64 = vector.broadcast %div3A_63 : f32 to vector<1x128xf32>
    %div3A_65 = arith.divf %broadcast_in_dim3A_62, %div3A_64 : vector<1x128xf32>
    %get3A_66 = arith.constant 0 : index
    %get3A_67 = arith.constant 0 : index
    %get3A_68 = vector.load %arg8[%get3A_66, %get3A_67] : memref<1x128xf32, #tpu.memory_space<vmem>>, vector<1x128xf32>
    %mul3A_69 = vector.broadcast %get3A_68 : vector<1x128xf32> to vector<10000x128xf32>
    %mul3A_70 = arith.mulf %mul3A_69, %sub3A_58 : vector<10000x128xf32>
    %add3A_71 = arith.constant 9.99999974E-6 : f32
    %add3A_72 = vector.broadcast %add3A_71 : f32 to vector<1x128xf32>
    %add3A_73 = arith.addf %div3A_65, %add3A_72 : vector<1x128xf32>
    %rsqrt3A_74 = math.rsqrt %add3A_73 : vector<1x128xf32>
    %mul3A_75 = vector.broadcast %rsqrt3A_74 : vector<1x128xf32> to vector<10000x128xf32>
    %mul3A_76 = arith.mulf %mul3A_70, %mul3A_75 : vector<10000x128xf32>
    %get3A_77 = arith.constant 0 : index
    %get3A_78 = arith.constant 0 : index
    %get3A_79 = vector.load %arg9[%get3A_77, %get3A_78] : memref<1x128xf32, #tpu.memory_space<vmem>>, vector<1x128xf32>
    %add3A_80 = vector.broadcast %get3A_79 : vector<1x128xf32> to vector<10000x128xf32>
    %add3A_81 = arith.addf %mul3A_76, %add3A_80 : vector<10000x128xf32>
    %max3A_82 = arith.constant 0.000000e+00 : f32
    %max3A_83 = vector.broadcast %max3A_82 : f32 to vector<10000x128xf32>
    %max3A_84 = arith.maximumf %add3A_81, %max3A_83 : vector<10000x128xf32>
    %reduce_sum3A_85 = arith.constant dense<0.000000e+00> : vector<128xf32>
    %reduce_sum3A_86 = vector.multi_reduction <add>, %max3A_84, %reduce_sum3A_85 [0] : vector<10000x128xf32> to vector<128xf32>
    %broadcast_in_dim3A_87 = vector.shape_cast %reduce_sum3A_86 : vector<128xf32> to vector<1x128xf32>
    %div3A_88 = arith.constant 1.000000e+04 : f32
    %div3A_89 = vector.broadcast %div3A_88 : f32 to vector<1x128xf32>
    %div3A_90 = arith.divf %broadcast_in_dim3A_87, %div3A_89 : vector<1x128xf32>
    %sub3A_91 = vector.broadcast %div3A_90 : vector<1x128xf32> to vector<10000x128xf32>
    %sub3A_92 = arith.subf %max3A_84, %sub3A_91 : vector<10000x128xf32>
    %mul3A_93 = arith.mulf %sub3A_92, %sub3A_92 : vector<10000x128xf32>
    %reduce_sum3A_94 = arith.constant dense<0.000000e+00> : vector<128xf32>
    %reduce_sum3A_95 = vector.multi_reduction <add>, %mul3A_93, %reduce_sum3A_94 [0] : vector<10000x128xf32> to vector<128xf32>
    %broadcast_in_dim3A_96 = vector.shape_cast %reduce_sum3A_95 : vector<128xf32> to vector<1x128xf32>
    %div3A_97 = arith.constant 1.000000e+04 : f32
    %div3A_98 = vector.broadcast %div3A_97 : f32 to vector<1x128xf32>
    %div3A_99 = arith.divf %broadcast_in_dim3A_96, %div3A_98 : vector<1x128xf32>
    %get3A_100 = arith.constant 0 : index
    %get3A_101 = arith.constant 0 : index
    %get3A_102 = vector.load %arg10[%get3A_100, %get3A_101] : memref<1x128xf32, #tpu.memory_space<vmem>>, vector<1x128xf32>
    %mul3A_103 = vector.broadcast %get3A_102 : vector<1x128xf32> to vector<10000x128xf32>
    %mul3A_104 = arith.mulf %mul3A_103, %sub3A_92 : vector<10000x128xf32>
    %add3A_105 = arith.constant 9.99999974E-6 : f32
    %add3A_106 = vector.broadcast %add3A_105 : f32 to vector<1x128xf32>
    %add3A_107 = arith.addf %div3A_99, %add3A_106 : vector<1x128xf32>
    %rsqrt3A_108 = math.rsqrt %add3A_107 : vector<1x128xf32>
    %mul3A_109 = vector.broadcast %rsqrt3A_108 : vector<1x128xf32> to vector<10000x128xf32>
    %mul3A_110 = arith.mulf %mul3A_104, %mul3A_109 : vector<10000x128xf32>
    %get3A_111 = arith.constant 0 : index
    %get3A_112 = arith.constant 0 : index
    %get3A_113 = vector.load %arg11[%get3A_111, %get3A_112] : memref<1x128xf32, #tpu.memory_space<vmem>>, vector<1x128xf32>
    %add3A_114 = vector.broadcast %get3A_113 : vector<1x128xf32> to vector<10000x128xf32>
    %add3A_115 = arith.addf %mul3A_110, %add3A_114 : vector<10000x128xf32>
    %max3A_116 = arith.constant 0.000000e+00 : f32
    %max3A_117 = vector.broadcast %max3A_116 : f32 to vector<10000x128xf32>
    %max3A_118 = arith.maximumf %add3A_115, %max3A_117 : vector<10000x128xf32>
    %swap3A = arith.constant 0 : index
    %swap3A_119 = arith.constant 0 : index
    %swap3A_120 = vector.load %arg12[%swap3A, %swap3A_119] : memref<10000x128xf32, #tpu.memory_space<vmem>>, vector<10000x128xf32>
    tpu.vector_store %arg12[%swap3A, %swap3A_119], %max3A_118 {strides = array<i32>} : memref<10000x128xf32, #tpu.memory_space<vmem>>, vector<10000x128xf32>,
    return
  }
}

module attributes {stable_mosaic.version = 14 : i64} {
  func.func @_tc_layer_body(%arg0: memref<10000x128xf32, #tpu.memory_space<vmem>>, %arg1: memref<10000x128xf32, #tpu.memory_space<vmem>>, %arg2: memref<128x128xf32, #tpu.memory_space<vmem>>, %arg3: memref<1x128xf32, #tpu.memory_space<vmem>>, %arg4: memref<1x128xf32, #tpu.memory_space<vmem>>, %arg5: memref<1x128xf32, #tpu.memory_space<vmem>>, %arg6: memref<128x128xf32, #tpu.memory_space<vmem>>, %arg7: memref<1x128xf32, #tpu.memory_space<vmem>>, %arg8: memref<1x128xf32, #tpu.memory_space<vmem>>, %arg9: memref<1x128xf32, #tpu.memory_space<vmem>>, %arg10: memref<1x128xf32, #tpu.memory_space<vmem>>, %arg11: memref<1x128xf32, #tpu.memory_space<vmem>>, %arg12: memref<10000x128xf32, #tpu.memory_space<vmem>>) attributes {dimension_semantics = [], scalar_prefetch = 0 : i64, scratch_operands = 0 : i64, tpu.core_type = #tpu.core_type<tc>} {
    %get3A = arith.constant 0 : index
    %get3A_0 = arith.constant 0 : index
    %get3A_1 = vector.load %arg0[%get3A, %get3A_0] : memref<10000x128xf32, #tpu.memory_space<vmem>>, vector<10000x128xf32>
    %get3A_2 = arith.constant 0 : index
    %get3A_3 = arith.constant 0 : index
    %get3A_4 = vector.load %arg1[%get3A_2, %get3A_3] : memref<10000x128xf32, #tpu.memory_space<vmem>>, vector<10000x128xf32>
    %add3A = arith.addf %get3A_1, %get3A_4 : vector<10000x128xf32>
    %get3A_5 = arith.constant 0 : index
    %get3A_6 = arith.constant 0 : index
    %get3A_7 = vector.load %arg2[%get3A_5, %get3A_6] : memref<128x128xf32, #tpu.memory_space<vmem>>, vector<128x128xf32>
    %dot_general3A = arith.constant dense<0.000000e+00> : vector<10000x128xf32>
    %dot_general3A_8 = tpu.matmul %add3A, %get3A_7, %dot_general3A {dimension_numbers = #tpu.dot_dimension_numbers<[1], [0], [0], [1], [0, 0, 1, 1], [], []>, transpose_lhs_hint = false} : vector<10000x128xf32>, vector<128x128xf32>, vector<10000x128xf32> -> vector<10000x128xf32>
    %get3A_9 = arith.constant 0 : index
    %get3A_10 = arith.constant 0 : index
    %get3A_11 = vector.load %arg3[%get3A_9, %get3A_10] : memref<1x128xf32, #tpu.memory_space<vmem>>, vector<1x128xf32>
    %add3A_12 = vector.broadcast %get3A_11 : vector<1x128xf32> to vector<10000x128xf32>
    %add3A_13 = arith.addf %dot_general3A_8, %add3A_12 : vector<10000x128xf32>
    %reduce_sum3A = arith.constant dense<0.000000e+00> : vector<128xf32>
    %reduce_sum3A_14 = vector.multi_reduction <add>, %add3A_13, %reduce_sum3A [0] : vector<10000x128xf32> to vector<128xf32>
    %broadcast_in_dim3A = vector.shape_cast %reduce_sum3A_14 : vector<128xf32> to vector<1x128xf32>
    %div3A = arith.constant 1.000000e+04 : f32
    %div3A_15 = vector.broadcast %div3A : f32 to vector<1x128xf32>
    %div3A_16 = arith.divf %broadcast_in_dim3A, %div3A_15 : vector<1x128xf32>
    %sub3A = vector.broadcast %div3A_16 : vector<1x128xf32> to vector<10000x128xf32>
    %sub3A_17 = arith.subf %add3A_13, %sub3A : vector<10000x128xf32>
    %mul3A = arith.mulf %sub3A_17, %sub3A_17 : vector<10000x128xf32>
    %reduce_sum3A_18 = arith.constant dense<0.000000e+00> : vector<128xf32>
    %reduce_sum3A_19 = vector.multi_reduction <add>, %mul3A, %reduce_sum3A_18 [0] : vector<10000x128xf32> to vector<128xf32>
    %broadcast_in_dim3A_20 = vector.shape_cast %reduce_sum3A_19 : vector<128xf32> to vector<1x128xf32>
    %div3A_21 = arith.constant 1.000000e+04 : f32
    %div3A_22 = vector.broadcast %div3A_21 : f32 to vector<1x128xf32>
    %div3A_23 = arith.divf %broadcast_in_dim3A_20, %div3A_22 : vector<1x128xf32>
    %get3A_24 = arith.constant 0 : index
    %get3A_25 = arith.constant 0 : index
    %get3A_26 = vector.load %arg4[%get3A_24, %get3A_25] : memref<1x128xf32, #tpu.memory_space<vmem>>, vector<1x128xf32>
    %mul3A_27 = vector.broadcast %get3A_26 : vector<1x128xf32> to vector<10000x128xf32>
    %mul3A_28 = arith.mulf %mul3A_27, %sub3A_17 : vector<10000x128xf32>
    %add3A_29 = arith.constant 9.99999974E-6 : f32
    %add3A_30 = vector.broadcast %add3A_29 : f32 to vector<1x128xf32>
    %add3A_31 = arith.addf %div3A_23, %add3A_30 : vector<1x128xf32>
    %rsqrt3A = math.rsqrt %add3A_31 : vector<1x128xf32>
    %mul3A_32 = vector.broadcast %rsqrt3A : vector<1x128xf32> to vector<10000x128xf32>
    %mul3A_33 = arith.mulf %mul3A_28, %mul3A_32 : vector<10000x128xf32>
    %get3A_34 = arith.constant 0 : index
    %get3A_35 = arith.constant 0 : index
    %get3A_36 = vector.load %arg5[%get3A_34, %get3A_35] : memref<1x128xf32, #tpu.memory_space<vmem>>, vector<1x128xf32>
    %add3A_37 = vector.broadcast %get3A_36 : vector<1x128xf32> to vector<10000x128xf32>
    %add3A_38 = arith.addf %mul3A_33, %add3A_37 : vector<10000x128xf32>
    %max3A = arith.constant 0.000000e+00 : f32
    %max3A_39 = vector.broadcast %max3A : f32 to vector<10000x128xf32>
    %max3A_40 = arith.maximumf %add3A_38, %max3A_39 : vector<10000x128xf32>
    %get3A_41 = arith.constant 0 : index
    %get3A_42 = arith.constant 0 : index
    %get3A_43 = vector.load %arg6[%get3A_41, %get3A_42] : memref<128x128xf32, #tpu.memory_space<vmem>>, vector<128x128xf32>
    %dot_general3A_44 = arith.constant dense<0.000000e+00> : vector<10000x128xf32>
    %dot_general3A_45 = tpu.matmul %max3A_40, %get3A_43, %dot_general3A_44 {dimension_numbers = #tpu.dot_dimension_numbers<[1], [0], [0], [1], [0, 0, 1, 1], [], []>, transpose_lhs_hint = false} : vector<10000x128xf32>, vector<128x128xf32>, vector<10000x128xf32> -> vector<10000x128xf32>
    %get3A_46 = arith.constant 0 : index
    %get3A_47 = arith.constant 0 : index
    %get3A_48 = vector.load %arg7[%get3A_46, %get3A_47] : memref<1x128xf32, #tpu.memory_space<vmem>>, vector<1x128xf32>
    %add3A_49 = vector.broadcast %get3A_48 : vector<1x128xf32> to vector<10000x128xf32>
    %add3A_50 = arith.addf %dot_general3A_45, %add3A_49 : vector<10000x128xf32>
    %reduce_sum3A_51 = arith.constant dense<0.000000e+00> : vector<128xf32>
    %reduce_sum3A_52 = vector.multi_reduction <add>, %add3A_50, %reduce_sum3A_51 [0] : vector<10000x128xf32> to vector<128xf32>
    %broadcast_in_dim3A_53 = vector.shape_cast %reduce_sum3A_52 : vector<128xf32> to vector<1x128xf32>
    %div3A_54 = arith.constant 1.000000e+04 : f32
    %div3A_55 = vector.broadcast %div3A_54 : f32 to vector<1x128xf32>
    %div3A_56 = arith.divf %broadcast_in_dim3A_53, %div3A_55 : vector<1x128xf32>
    %sub3A_57 = vector.broadcast %div3A_56 : vector<1x128xf32> to vector<10000x128xf32>
    %sub3A_58 = arith.subf %add3A_50, %sub3A_57 : vector<10000x128xf32>
    %mul3A_59 = arith.mulf %sub3A_58, %sub3A_58 : vector<10000x128xf32>
    %reduce_sum3A_60 = arith.constant dense<0.000000e+00> : vector<128xf32>
    %reduce_sum3A_61 = vector.multi_reduction <add>, %mul3A_59, %reduce_sum3A_60 [0] : vector<10000x128xf32> to vector<128xf32>
    %broadcast_in_dim3A_62 = vector.shape_cast %reduce_sum3A_61 : vector<128xf32> to vector<1x128xf32>
    %div3A_63 = arith.constant 1.000000e+04 : f32
    %div3A_64 = vector.broadcast %div3A_63 : f32 to vector<1x128xf32>
    %div3A_65 = arith.divf %broadcast_in_dim3A_62, %div3A_64 : vector<1x128xf32>
    %get3A_66 = arith.constant 0 : index
    %get3A_67 = arith.constant 0 : index
    %get3A_68 = vector.load %arg8[%get3A_66, %get3A_67] : memref<1x128xf32, #tpu.memory_space<vmem>>, vector<1x128xf32>
    %mul3A_69 = vector.broadcast %get3A_68 : vector<1x128xf32> to vector<10000x128xf32>
    %mul3A_70 = arith.mulf %mul3A_69, %sub3A_58 : vector<10000x128xf32>
    %add3A_71 = arith.constant 9.99999974E-6 : f32
    %add3A_72 = vector.broadcast %add3A_71 : f32 to vector<1x128xf32>
    %add3A_73 = arith.addf %div3A_65, %add3A_72 : vector<1x128xf32>
    %rsqrt3A_74 = math.rsqrt %add3A_73 : vector<1x128xf32>
    %mul3A_75 = vector.broadcast %rsqrt3A_74 : vector<1x128xf32> to vector<10000x128xf32>
    %mul3A_76 = arith.mulf %mul3A_70, %mul3A_75 : vector<10000x128xf32>
    %get3A_77 = arith.constant 0 : index
    %get3A_78 = arith.constant 0 : index
    %get3A_79 = vector.load %arg9[%get3A_77, %get3A_78] : memref<1x128xf32, #tpu.memory_space<vmem>>, vector<1x128xf32>
    %add3A_80 = vector.broadcast %get3A_79 : vector<1x128xf32> to vector<10000x128xf32>
    %add3A_81 = arith.addf %mul3A_76, %add3A_80 : vector<10000x128xf32>
    %max3A_82 = arith.constant 0.000000e+00 : f32
    %max3A_83 = vector.broadcast %max3A_82 : f32 to vector<10000x128xf32>
    %max3A_84 = arith.maximumf %add3A_81, %max3A_83 : vector<10000x128xf32>
    %reduce_sum3A_85 = arith.constant dense<0.000000e+00> : vector<128xf32>
    %reduce_sum3A_86 = vector.multi_reduction <add>, %max3A_84, %reduce_sum3A_85 [0] : vector<10000x128xf32> to vector<128xf32>
    %broadcast_in_dim3A_87 = vector.shape_cast %reduce_sum3A_86 : vector<128xf32> to vector<1x128xf32>
    %div3A_88 = arith.constant 1.000000e+04 : f32
    %div3A_89 = vector.broadcast %div3A_88 : f32 to vector<1x128xf32>
    %div3A_90 = arith.divf %broadcast_in_dim3A_87, %div3A_89 : vector<1x128xf32>
    %sub3A_91 = vector.broadcast %div3A_90 : vector<1x128xf32> to vector<10000x128xf32>
    %sub3A_92 = arith.subf %max3A_84, %sub3A_91 : vector<10000x128xf32>
    %mul3A_93 = arith.mulf %sub3A_92, %sub3A_92 : vector<10000x128xf32>
    %reduce_sum3A_94 = arith.constant dense<0.000000e+00> : vector<128xf32>
    %reduce_sum3A_95 = vector.multi_reduction <add>, %mul3A_93, %reduce_sum3A_94 [0] : vector<10000x128xf32> to vector<128xf32>
    %broadcast_in_dim3A_96 = vector.shape_cast %reduce_sum3A_95 : vector<128xf32> to vector<1x128xf32>
    %div3A_97 = arith.constant 1.000000e+04 : f32
    %div3A_98 = vector.broadcast %div3A_97 : f32 to vector<1x128xf32>
    %div3A_99 = arith.divf %broadcast_in_dim3A_96, %div3A_98 : vector<1x128xf32>
    %get3A_100 = arith.constant 0 : index
    %get3A_101 = arith.constant 0 : index
    %get3A_102 = vector.load %arg10[%get3A_100, %get3A_101] : memref<1x128xf32, #tpu.memory_space<vmem>>, vector<1x128xf32>
    %mul3A_103 = vector.broadcast %get3A_102 : vector<1x128xf32> to vector<10000x128xf32>
    %mul3A_104 = arith.mulf %mul3A_103, %sub3A_92 : vector<10000x128xf32>
    %add3A_105 = arith.constant 9.99999974E-6 : f32
    %add3A_106 = vector.broadcast %add3A_105 : f32 to vector<1x128xf32>
    %add3A_107 = arith.addf %div3A_99, %add3A_106 : vector<1x128xf32>
    %rsqrt3A_108 = math.rsqrt %add3A_107 : vector<1x128xf32>
    %mul3A_109 = vector.broadcast %rsqrt3A_108 : vector<1x128xf32> to vector<10000x128xf32>
    %mul3A_110 = arith.mulf %mul3A_104, %mul3A_109 : vector<10000x128xf32>
    %get3A_111 = arith.constant 0 : index
    %get3A_112 = arith.constant 0 : index
    %get3A_113 = vector.load %arg11[%get3A_111, %get3A_112] : memref<1x128xf32, #tpu.memory_space<vmem>>, vector<1x128xf32>
    %add3A_114 = vector.broadcast %get3A_113 : vector<1x128xf32> to vector<10000x128xf32>
    %add3A_115 = arith.addf %mul3A_110, %add3A_114 : vector<10000x128xf32>
    %max3A_116 = arith.constant 0.000000e+00 : f32
    %max3A_117 = vector.broadcast %max3A_116 : f32 to vector<10000x128xf32>
    %max3A_118 = arith.maximumf %add3A_115, %max3A_117 : vector<10000x128xf32>
    %swap3A = arith.constant 0 : index
    %swap3A_119 = arith.constant 0 : index
    %swap3A_120 = vector.load %arg12[%swap3A, %swap3A_119] : memref<10000x128xf32, #tpu.memory_space<vmem>>, vector<10000x128xf32>
    tpu.vector_store %arg12[%swap3A, %swap3A_119], %max3A_118 {strides = array<i32>} : memref<10000x128xf32, #tpu.memory_space<vmem>>, vector<10000x128xf32>,
    return
  }
}

</mosaic_0001>

<sc_bundles>
// kernel: kernel.6.cloned.1.call-start
scs
__scs_entry_jumppad:
0x0: {  	(pc) =	sbr.rel $0x88, $3  }
0x1: {  	(tag) =	ssettag $0x0;
	lr =	simm.s32 $0x1  }
0x2: {  	[smem:$0x3F8B] =	sst lr;
	_ =	strace $0xD0000000  }
0x3: {  	_ = 	snop  }
0x4: {  	_ = 	snop  }
0x5: {  	_ = 	snop  }
0x6: {  	_ = 	snop  }
0x7: {  	_ = 	snop  }
__scs_overlays_trampoline_lowered:
0x8: {  	[smem:$0x3F9A] =	sst s0  }
0x9: {  	[smem:$0x3F9B] =	sst s1  }
0xa: {  	[smem:$0x3F9C] =	sst s2  }
0xb: {  	[smem:$0x3F9D] =	sst s3  }
0xc: {  	[smem:$0x3F9E] =	sst s4  }
0xd: {  	[smem:$0x3F9F] =	sst s5  }
0xe: {  	[smem:$0x3FA0] =	sst s6  }
0xf: {  	[smem:$0x3FA1] =	sst s7  }
0x10: {  	[smem:$0x3FA2] =	sst s8  }
0x11: {  	[smem:$0x3FA3] =	sst s9;
	s0 =	simm.s32 @!p0 $0x0  }
0x12: {  	s1 =	sld [smem:$0x3F89];
	s0 =	simm.s32 @p0 $0x1  }
0x13: {  	[smem:$0x3FA4] =	sst s0;
	s0 =	simm.s32 @!p1 $0x0  }
0x14: {  	s2 =	sld [smem:$0x3F88];
	s0 =	simm.s32 @p1 $0x1  }
0x15: {  	[smem:$0x3FA5] =	sst s0;
	s0 =	simm.s32 @!p2 $0x0  }
0x16: {  	s3 =	sld [smem:$0x3FDB];
	s0 =	simm.s32 @p2 $0x1  }
0x17: {  	s4 =	simm.s32 $0x1BF5;
	[smem:$0x3FA7] =	sst s0  }
0x18: {  	s0 =	sld [smem:$0x3F8A];
	_ =	swait.ge [sflag:s4], $0x0  }
0x19: {  	s7 =	sld [smem:$0x3F8B]  }
0x1a: {  	s8 =	sadd.s32 $0xFFFFE003, lr  }
0x1b: {  	s9 =	sadd.s32 $0xFFFFFEF7, lr;
	s5 =	simm.s32 $0xFFFFFFFF;
	p2 =	slt.u32 s8, $0xFFFFF086  }
0x1c: {  	p1 =	slt.u32 s9, $0xF7A;
	s5 =	simm.s32 @!p2 $0x0  }
0x1d: {  	s5 =	simm.s32 @p1 $0x1;
	p0 =	seq.s32 s7, s2  }
0x1e: {  	s7 =	smul.u32 @!p0 $0xF7A, s2;
	p2 =	seq.s32 @!p0 s5, $0x0  }
0x1f: {  	s9 =	smul.u32 $0xF7A, s1;
	s8 =	simm.s32 @!p0 $0x1BF5;
	p2 =	por !p2, p0  }
0x20: {  	[sflag:s8] =	ssyncset.s32 @!p0 $0xFFFFF086;
	s6 =	sadd.s32 @!p0 s3, s7;
	s7 =	simm.s32 @!p0 $0x108  }
0x21: {  	s3 =	sadd.s32 s3, s9;
	s6 =	sadd.s32 @!p0 $0x88, s6;
	s7 =	simm.s32 @p2 $0x1082  }
0x22: {  	[simem:s7], [sflag:s8] =	dma.local @!p0 [hbm:s6], $0xF7A  }
0x23: {  	s9 =	sor.u32 $0xD0000000, s2;
	s6 =	simm.s32 $0x108;
	_ =	swait.ge @!p0 [sflag:s8], $0x0  }
0x24: {  	s3 =	sadd.s32 $0x88, s3;
	s6 =	simm.s32 @!p1 $0x1082;
	[sflag:s4] =	ssyncset.s32 $0xFFFFF086  }
0x25: {  	[simem:s6], [sflag:s4] =	dma.local [hbm:s3], $0xF7A  }
0x26: {  	[smem:$0x3F8B] =	sst s1;
	(tag) =	ssettag s2;
	_ =	strace s9  }
0x27: {  	s1 =	sld [smem:$0x3F9B]  }
0x28: {  	s2 =	sld [smem:$0x3F9C]  }
0x29: {  	s4 =	sld [smem:$0x3F9E]  }
0x2a: {  	p0 =	seq.s32 s5, $0x0;
	s5 =	sld [smem:$0x3F9F]  }
0x2b: {  	s6 =	sld [smem:$0x3FA0]  }
0x2c: {  	s7 =	sld [smem:$0x3FA1]  }
0x2d: {  	s3 =	simm.s32 $0x108;
	s8 =	sld [smem:$0x3FA2]  }
0x2e: {  	s3 =	simm.s32 @!p0 $0x1082;
	s9 =	sld [smem:$0x3FA3]  }
0x2f: {  	lr =	sadd.s32 s0, s3;
	s0 =	sld [smem:$0x3F9A]  }
0x30: {  	s3 =	sld [smem:$0x3F9D]  }
0x31: {  	[smem:$0x3FA6] =	sst s10  }
0x32: {  	s10 =	sld [smem:$0x3FA4];
	_ =	sdelay $0x3  }
0x33: {  	p0 =	seq.s32 s10, $0x1;
	s10 =	sld [smem:$0x3FA6];
	_ =	sdelay $0x3  }
0x34: {  	[smem:$0x3FA6] =	sst s10  }
0x35: {  	s10 =	sld [smem:$0x3FA5];
	_ =	sdelay $0x3  }
0x36: {  	p1 =	seq.s32 s10, $0x1;
	s10 =	sld [smem:$0x3FA6];
	_ =	sdelay $0x3  }
0x37: {  	[smem:$0x3FA6] =	sst s10  }
0x38: {  	s10 =	sld [smem:$0x3FA7]  }
0x39: {  	_ = 	snop;
	(pc) =	sbr.ind lr, $3  }
0x3a: {  	_ = 	snop  }
0x3b: {  	_ = 	snop  }
0x3c: {  	p2 =	seq.s32 s10, $0x1;
	s10 =	sld [smem:$0x3FA6]  }
0x3d: {  	_ =	shalt  }
0x3e: {  	_ =	shalt  }
0x3f: {  	_ =	shalt  }
0x40: {  	_ =	shalt  }
0x41: {  	_ =	shalt  }
0x42: {  	_ =	shalt  }
0x43: {  	_ =	shalt  }
0x44: {  	_ =	shalt  }
0x45: {  	_ =	shalt  }
0x46: {  	_ =	shalt  }
0x47: {  	_ =	shalt  }
0x48: {  	_ =	shalt  }
0x49: {  	_ =	shalt  }
0x4a: {  	_ =	shalt  }
0x4b: {  	_ =	shalt  }
0x4c: {  	_ =	shalt  }
0x4d: {  	_ =	shalt  }
0x4e: {  	_ =	shalt  }
0x4f: {  	_ =	shalt  }
0x50: {  	_ =	shalt  }
0x51: {  	_ =	shalt  }
0x52: {  	_ =	shalt  }
0x53: {  	_ =	shalt  }
0x54: {  	_ =	shalt  }
0x55: {  	_ =	shalt  }
0x56: {  	_ =	shalt  }
0x57: {  	_ =	shalt  }
0x58: {  	_ =	shalt  }
0x59: {  	_ =	shalt  }
0x5a: {  	_ =	shalt  }
0x5b: {  	_ =	shalt  }
0x5c: {  	_ =	shalt  }
0x5d: {  	_ =	shalt  }
0x5e: {  	_ =	shalt  }
0x5f: {  	_ =	shalt  }
0x60: {  	_ =	shalt  }
0x61: {  	_ =	shalt  }
0x62: {  	_ =	shalt  }
0x63: {  	_ =	shalt  }
0x64: {  	_ =	shalt  }
0x65: {  	_ =	shalt  }
0x66: {  	_ =	shalt  }
0x67: {  	_ =	shalt  }
0x68: {  	_ =	shalt  }
0x69: {  	_ =	shalt  }
0x6a: {  	_ =	shalt  }
0x6b: {  	_ =	shalt  }
0x6c: {  	_ =	shalt  }
0x6d: {  	_ =	shalt  }
0x6e: {  	_ =	shalt  }
0x6f: {  	_ =	shalt  }
0x70: {  	_ =	shalt  }
0x71: {  	_ =	shalt  }
0x72: {  	_ =	shalt  }
0x73: {  	_ =	shalt  }
0x74: {  	_ =	shalt  }
0x75: {  	_ =	shalt  }
0x76: {  	_ =	shalt  }
0x77: {  	_ =	shalt  }
0x78: {  	_ =	shalt  }
0x79: {  	_ =	shalt  }
0x7a: {  	_ =	shalt  }
0x7b: {  	_ =	shalt  }
0x7c: {  	_ =	shalt  }
0x7d: {  	_ =	shalt  }
0x7e: {  	_ =	shalt  }
0x7f: {  	_ =	shalt  }
0x80: {  	_ =	shalt  }
0x81: {  	_ =	shalt  }
0x82: {  	_ =	shalt  }
0x83: {  	_ =	shalt  }
0x84: {  	_ =	shalt  }
0x85: {  	_ =	shalt  }
0x86: {  	_ =	shalt  }
0x87: {  	_ =	shalt  }
.Lfunc_end0:
.L_simem_size_0:
called_computation_lowered:
.L_overlay_start_0:
0x88: {  	s2 =	sld [smem:$0x3FD9]  }
0x89: {  	s3 =	sld [smem:$0x3FFE];
	_ =	sdelay $0x1  }
0x8a: {  	s1 =	srdreg.scid  }
0x8b: {  	s0 =	sand.u32 $0x1, s1  }
0x8c: {  	s17 =	sshll.u32 s0, $0xA;
	s2 =	sadd.s32 s3, s2  }
0x8d: {  	s2 =	sadd.s32 s2, s17  }
0x8e: {  	[smem:$0x3FB2] =	sst s2  }
0x8f: {  	_ = 	snop  }
0x90: {  	s2 =	sld [smem:$0x3FC9]  }
0x91: {  	s18 =	sld [smem:$0x3FD0];
	(tm) =	ssettm $0x1  }
0x92: {  	s4 =	sld [smem:$0x3FFB];
	_ =	sdelay $0x3  }
0x93: {  	_ =	strace s4  }
0x94: {  	s4 =	sld [smem:$0x3FFC];
	_ =	sdelay $0x3  }
0x95: {  	_ =	strace s4  }
0x96: {  	s4 =	sld [smem:$0x3FFD];
	_ =	sdelay $0x3  }
0x97: {  	_ =	strace s4  }
0x98: {  	_ =	strace $0x8FFFFFFF  }
0x99: {  	s19 =	sld [smem:$0x3FDB];
	_ =	sdelay $0x1  }
0x9a: {  	s5 =	simm.s32 $_scs_section_size  }
0x9b: {  	s6 =	simm.s32 $_size__tile_overlayer_lowered;
	s7 =	simm.s32 $_tile_overlayer_lowered  }
0x9c: {  	s22 =	simm.s32 $0x1BFF;
	s21 =	sshll.u32 s7, $0x1;
	s4 =	sadd.s32 s5, s19  }
0x9d: {  	s8 =	simm.s32 $0x0;
	s20 =	sshll.u32 s6, $0x1;
	s6 =	sadd.s32 s21, s4  }
0x9e: {  	[timem:s8], [sflag:s22] =	dma.local [hbm:s6], s20  }
0x9f: {  	_ =	swait.ge [sflag:s22], s20  }
0xa0: {  	s5 =	ssub.s32 $0x0, s20;
	[sflag:s22] =	ssyncset.done $0x0  }
0xa1: {  	[sflag:s22] =	ssyncadd.s32 s5;
	_ =	sdelay $0x1  }
0xa2: {  	s23 =	simm.s32 $0x1B8B  }
0xa3: {  	_ =	swait.ge [sflag:s23], $0x1  }
0xa4: {  	[sflag:s23] =	ssyncset.done $0x0  }
0xa5: {  	s25 =	simm.s32 $0x1B8E;
	s24 =	sld [smem:$0x3FFE];
	[sflag:s23] =	ssyncadd.s32 $0xFFFFFFFF  }
0xa6: {  	s26 =	simm.s32 $execute0_lowered;
	[smem:$0x3FD2] =	sst s25  }
0xa7: {  	s6 =	sshll.u32 s26, $0x1;
	_ =	strace $0x80000046;
	[dreg:$0x1] =	wrdreg $0xFFFFFFFF  }
0xa8: {  	s28 =	simm.s32 $_size_execute0_lowered;
	s4 =	sadd.s32 s4, s6;
	[dreg:$0x0] =	wrdreg $0x0  }
0xa9: {  	s6 =	sshll.u32 s28, $0x1;
	[dreg:$0x2] =	wrdreg s4  }
0xaa: {  	[dreg:$0x3] =	wrdreg s6  }
0xab: {  	[dreg:$0x4] =	wrdreg $0xC0  }
0xac: {  	_ =	task [dreg:s8], $0x5FFFF  }
0xad: {  	[dreg:$0x1] =	wrdreg $0xFFFFFFFF  }
0xae: {  	[dreg:$0x0] =	wrdreg $0x60  }
0xaf: {  	[dreg:$0x2] =	wrdreg s2  }
0xb0: {  	[dreg:$0x3] =	wrdreg s18  }
0xb1: {  	[dreg:$0x4] =	wrdreg s24  }
0xb2: {  	[dreg:$0x5] =	wrdreg $0x0  }
0xb3: {  	[dreg:$0x6] =	wrdreg $0x9  }
0xb4: {  	_ =	task.clear_ibuf [dreg:s8], $0x7FFFF;
	_ =	strace $0x90000046  }
0xb5: {  	s29 =	simm.s32 $0x9;
	_ =	strace $0x80000048  }
0xb6: {  	_ =	swait.ge [sflag:s29], $0x1  }
0xb7: {  	[sflag:s29] =	ssyncadd.s32 $0xFFFFFFFF  }
0xb8: {  	_ =	strace $0x90000048  }
0xb9: {  	_ =	sfence  }
0xba: {  	s30 =	sld [smem:$0x0];
	_ =	sdelay $0x2  }
0xbb: {  	s31 =	sshll.u32 s1, $0xD;
	s1 =	sshrl.u32 s1, $0x2  }
0xbc: {  	s3 =	sand.u32 $0x4000, s31;
	s1 =	sadd.s32 s1, s30  }
0xbd: {  	s0 =	sor.u32 s3, s0;
	s1 =	sshll.u32 s1, $0x11  }
0xbe: {  	s0 =	sor.u32 s1, s0  }
0xbf: {  	s0 =	sadd.s32 $0x8F2B, s0  }
0xc0: {  	[sflag:s0] =	ssyncadd.remote.s32 $0x1  }
0xc1: {  	_ =	sfence.sel $0xFFFF  }
0xc2: {  	[dreg:$0x0] =	wrdreg $0xFFFFFFFF;
	(pc) =	sbr.abs _section_cstart, $3  }
0xc3: {  	[dreg:$0x1] =	wrdreg $0xFFFFFFFF  }
0xc4: {  	_ =	task.clear_ibuf [dreg:s8], $0x2FFFF;
	_ =	strace $0x9FFFFFFF  }
0xc5: {  	(tm) =	ssettm $0x7FFFFFFF  }
tec
execute0_lowered:
.L_overlay_start_1:
0x0: {  	(tag) =	ssettag $0x1  }
0x1: {  	s1 =	rddreg [dreg:$0x0]  }
0x2: {  	s8 =	rddreg [dreg:$0x1]  }
0x3: {  	s5 =	rddreg [dreg:$0x2];
	s2 =	srdreg.scid  }
0x4: {  	s0 =	stileid.u32;
	s3 =	rddreg [dreg:$0x3]  }
0x5: {  	s4 =	simm.s32 $0x0;
	s15 =	simm.s32 $0x80;
	s16 =	simm.s32 $0x18900  }
0x6: {  	s17 =	simm.s32 $0x1;
	s6 =	sand.u32 $0x1, s2;
	s2 =	rddreg [dreg:$0x4]  }
0x7: {  	s18 =	simm.s32 $0x0;
	s7 =	sshll.u32 s0, $0x1;
	[smem:$0x7FF] =	sst s4  }
0x8: {  	s9 =	smul.u32 $0x4E000, s0;
	s10 =	sadd.s32 $0x17A00, s5;
	s12 =	sadd.s32 $0x3EC00, s5  }
0x9: {  	s14 =	smul.u32 $0x2700, s0;
	s31 =	sshll.u32 s0, $0x6;
	s7 =	sor.u32 s6, s7  }
0xa: {  	_ =	strace $0x80000047;
	s11 =	ssub.s32 $0x2, s6;
	p0 =	seq.s32 s6, $0x0  }
0xb: {  	s7 =	smul.u32 $0x500, s7;
	s30 =	sshrl.u32 s11, $0x1;
	s9 =	sshrl.u32 s9, $0x2  }
0xc: {  	s8 =	smov.u32 @p0 s1;
	s12 =	smov.u32 @p0 s10;
	s11 =	ssub.s32 s11, s30  }
0xd: {  	s13 =	sadd.s32 s9, s3;
	s8 =	sadd.s32 s8, s14;
	s9 =	sor.u32 $0x1C02, s31  }
0xe: {  	s10 =	sadd.s32 s12, s14;
	s12 =	simm.s32 $0x2;
	s7 =	sadd.s32 s7, s5  }
0xf: {  	s14 =	simm.s32 $0x16100;
	s5 =	sadd.s32 $0xDA00, s7;
	s6 =	sadd.s32 $0x3A00, s7  }
0x10: {  	s7 =	smax.u32 s11, $0x1;
	s11 =	sshrl.u32 s13, $0x3;
	s13 =	simm.s32 $0x13900  }
.LBB2_1:
0x11: {  	[spmem:s11], [sflag:s9] =	dma.local [hbm:s8], $0x2800  }
0x12: {  	_ =	swait.ge [sflag:s12], $0x2800  }
0x13: {  	[sflag:s12] =	ssyncset.done $0x0  }
0x14: {  	[sflag:s12] =	ssyncadd.s32 $0xFFFFD800  }
0x15: {  	[tilespmem:s13], [sflag:$0x2] =	stream.linear.gather [hbm4b:s5+s4], $0x2780, $0x38;
	[tilespmem:$0x1C900] =	vst v63  }
0x16: {  	_ =	swait.ge [sflag:s12], $0x2780  }
0x17: {  	[sflag:s12] =	ssyncset.done $0x0  }
0x18: {  	[sflag:s12] =	ssyncadd.s32 $0xFFFFD880  }
0x19: {  	[tilespmem:s14], [sflag:$0x2] =	stream.linear.gather [hbm4b:s6+s4], $0x2780, $0x38;
	[tilespmem:$0x1C900] =	vst v63  }
0x1a: {  	_ =	swait.ge [sflag:s12], $0x2780  }
0x1b: {  	[sflag:s12] =	ssyncset.done $0x0  }
0x1c: {  	[sflag:s12] =	ssyncadd.s32 $0xFFFFD880  }
0x1d: {  	s19 =	simm.s32 $0x13900;
	[bflag:$0x0] =	sbarrier.arrive $0xFFFF  }
0x1e: {  	[tilespmem:s16], [sflag:$0x1] =	stream.indirect.gather [hbm4b:s1+s15], $0x80, s19, s15, $0xb8;
	[tilespmem:$0x1C900] =	vst v63  }
0x1f: {  	_ =	swait.ge [sflag:s17], $0x4000  }
0x20: {  	[sflag:s17] =	ssyncset.done $0x0  }
0x21: {  	s31 =	simm.s32 $0x16100;
	[sflag:s17] =	ssyncadd.s32 $0xFFFFC000  }
0x22: {  	[spmem:s3] =	stream.indirect.scatter.add.f32 [tilespmem:s16], [sflag:$0x2], $0x80, s31, s15, $0xb8;
	[tilespmem:$0x1C900] =	vst v63  }
0x23: {  	_ =	swait.ge [sflag:s12], $0x4000  }
0x24: {  	s20 =	simm.s32 $0x400;
	s19 =	simm.s32 $0x80;
	[sflag:s12] =	ssyncset.done $0x0  }
.LBB2_2:
0x25: {  	s21 =	sadd.s32 $0x13900, s19  }
0x26: {  	[sflag:s12] =	ssyncadd.s32 $0xFFFFC000;
	s22 =	smov.u32 s20;
	s23 =	sadd.s32 $0x200, s20  }
0x27: {  	[tilespmem:s16], [sflag:$0x1] =	stream.indirect.gather [hbm4b:s1+s15], $0x80, s21, s15, $0xb8;
	[tilespmem:$0x1C900] =	vst v63  }
0x28: {  	p0 =	sne.s32 s20, $0x9C00;
	_ =	swait.ge [sflag:s17], $0x4000  }
.Ltmp0:
0x29: {  	[sflag:s17] =	ssyncset.done $0x0;
	(pc) =	sbr.rel @p0 .LBB2_2-.Ltmp0, $4  }
0x2a: {  	s19 =	sadd.s32 $0x16100, s19;
	[sflag:s17] =	ssyncadd.s32 $0xFFFFC000  }
0x2b: {  	[spmem:s3] =	stream.indirect.scatter.add.f32 [tilespmem:s16], [sflag:$0x2], $0x80, s19, s15, $0xb8;
	[tilespmem:$0x1C900] =	vst v63  }
0x2c: {  	_ =	swait.ge [sflag:s12], $0x4000  }
0x2d: {  	s20 =	smov.u32 s23;
	s19 =	sshra.s32 s22, $0x2;
	[sflag:s12] =	ssyncset.done $0x0  }
0x2e: {  	s20 =	sadd.s32 $0x13900, s19;
	[sflag:s12] =	ssyncadd.s32 $0xFFFFC000  }
0x2f: {  	[tilespmem:s16], [sflag:$0x1] =	stream.indirect.gather [hbm4b:s1+s15], $0x80, s20, s15, $0xb8;
	[tilespmem:$0x1C900] =	vst v63  }
0x30: {  	_ =	swait.ge [sflag:s17], $0x4000  }
0x31: {  	[sflag:s17] =	ssyncset.done $0x0  }
0x32: {  	s31 =	sadd.s32 $0x16100, s19;
	[sflag:s17] =	ssyncadd.s32 $0xFFFFC000  }
0x33: {  	[spmem:s3] =	stream.indirect.scatter.add.f32 [tilespmem:s16], [sflag:$0x2], $0x80, s31, s15, $0xb8;
	[tilespmem:$0x1C900] =	vst v63  }
0x34: {  	_ =	swait.ge [sflag:s12], $0x4000  }
0x35: {  	s18 =	sadd.s32 $0x1, s18;
	[sflag:s12] =	ssyncset.done $0x0  }
0x36: {  	p0 =	sne.s32 s18, s7;
	[sflag:s12] =	ssyncadd.s32 $0xFFFFC000  }
.Ltmp1:
0x37: {  	[bflag:$0x0] =	sbarrier.arrive $0xFFFF;
	(pc) =	sbr.rel @p0 .LBB2_1-.Ltmp1, $4  }
0x38: {  	[hbm:s10], [sflag:s9] =	dma.local [spmem:s11], $0x2800  }
0x39: {  	_ =	swait.ge [sflag:s12], $0x2800  }
0x3a: {  	[sflag:s12] =	ssyncset.done $0x0  }
0x3b: {  	[sflag:s12] =	ssyncadd.s32 $0xFFFFD800  }
0x3c: {  	_ =	sfence.sel $0x180000  }
0x3d: {  	[bflag:$0x0] =	sbarrier.arrive $0xFFFF  }
0x3e: {  	p0 =	sne.s32 s0, $0x0;
	_ =	strace $0x90000047  }
0x3f: {  	s0 =	sadd.s32 @!p0 $0x100000, s2;
	[bflag:$0x2] =	sbarrier.arrive $0xFFFF  }
0x40: {  	[sflag:s0] =	ssyncadd.tile.s32 @!p0 $0x1;
	_ =	shalt  }
.Lfunc_end2:
_tile_overlayer_lowered:
.L_overlay_start_2:
0x41: {  	(tag) =	ssettag $0x2  }
0x42: {  	s0 =	rddreg [dreg:$0x0];
	s2 =	stileid.u32  }
0x43: {  	s1 =	rddreg [dreg:$0x1];
	p0 =	sne.s32 s2, $0x0  }
0x44: {  	s3 =	rddreg [dreg:$0x2];
	[bflag:$0x3] =	sbarrier.arrive $0xFFFF;
	s2 =	simm.s32 @!p0 $0x1C02  }
0x45: {  	[timem:s3], [sflag:s2] =	dma.local @!p0 [hbm:s0], s1  }
0x46: {  	s0 =	simm.s32 @!p0 $0x2  }
0x47: {  	_ =	swait.ge @!p0 [sflag:s0], s1  }
0x48: {  	s1 =	ssub.s32 @!p0 $0x0, s1;
	[sflag:s0] =	ssyncset.done @!p0 $0x0  }
0x49: {  	[sflag:s0] =	ssyncadd.s32 @!p0 s1  }
0x4a: {  	[bflag:$0x3] =	sbarrier.arrive $0xFFFF  }
0x4b: {  	_ =	shalt  }

// kernel: kernel.9.cloned.1.call-start
scs
__scs_entry_jumppad:
0x0: {  	(pc) =	sbr.rel $0x88, $3  }
0x1: {  	(tag) =	ssettag $0x0;
	lr =	simm.s32 $0x1  }
0x2: {  	[smem:$0x3F8B] =	sst lr;
	_ =	strace $0xD0000000  }
0x3: {  	_ = 	snop  }
0x4: {  	_ = 	snop  }
0x5: {  	_ = 	snop  }
0x6: {  	_ = 	snop  }
0x7: {  	_ = 	snop  }
__scs_overlays_trampoline_lowered:
0x8: {  	[smem:$0x3F9A] =	sst s0  }
0x9: {  	[smem:$0x3F9B] =	sst s1  }
0xa: {  	[smem:$0x3F9C] =	sst s2  }
0xb: {  	[smem:$0x3F9D] =	sst s3  }
0xc: {  	[smem:$0x3F9E] =	sst s4  }
0xd: {  	[smem:$0x3F9F] =	sst s5  }
0xe: {  	[smem:$0x3FA0] =	sst s6  }
0xf: {  	[smem:$0x3FA1] =	sst s7  }
0x10: {  	[smem:$0x3FA2] =	sst s8  }
0x11: {  	[smem:$0x3FA3] =	sst s9;
	s0 =	simm.s32 @!p0 $0x0  }
0x12: {  	s1 =	sld [smem:$0x3F89];
	s0 =	simm.s32 @p0 $0x1  }
0x13: {  	[smem:$0x3FA4] =	sst s0;
	s0 =	simm.s32 @!p1 $0x0  }
0x14: {  	s2 =	sld [smem:$0x3F88];
	s0 =	simm.s32 @p1 $0x1  }
0x15: {  	[smem:$0x3FA5] =	sst s0;
	s0 =	simm.s32 @!p2 $0x0  }
0x16: {  	s3 =	sld [smem:$0x3FDB];
	s0 =	simm.s32 @p2 $0x1  }
0x17: {  	s4 =	simm.s32 $0x1BF5;
	[smem:$0x3FA7] =	sst s0  }
0x18: {  	s0 =	sld [smem:$0x3F8A];
	_ =	swait.ge [sflag:s4], $0x0  }
0x19: {  	s7 =	sld [smem:$0x3F8B]  }
0x1a: {  	s8 =	sadd.s32 $0xFFFFE003, lr  }
0x1b: {  	s9 =	sadd.s32 $0xFFFFFEF7, lr;
	s5 =	simm.s32 $0xFFFFFFFF;
	p2 =	slt.u32 s8, $0xFFFFF086  }
0x1c: {  	p1 =	slt.u32 s9, $0xF7A;
	s5 =	simm.s32 @!p2 $0x0  }
0x1d: {  	s5 =	simm.s32 @p1 $0x1;
	p0 =	seq.s32 s7, s2  }
0x1e: {  	s7 =	smul.u32 @!p0 $0xF7A, s2;
	p2 =	seq.s32 @!p0 s5, $0x0  }
0x1f: {  	s9 =	smul.u32 $0xF7A, s1;
	s8 =	simm.s32 @!p0 $0x1BF5;
	p2 =	por !p2, p0  }
0x20: {  	[sflag:s8] =	ssyncset.s32 @!p0 $0xFFFFF086;
	s6 =	sadd.s32 @!p0 s3, s7;
	s7 =	simm.s32 @!p0 $0x108  }
0x21: {  	s3 =	sadd.s32 s3, s9;
	s6 =	sadd.s32 @!p0 $0x88, s6;
	s7 =	simm.s32 @p2 $0x1082  }
0x22: {  	[simem:s7], [sflag:s8] =	dma.local @!p0 [hbm:s6], $0xF7A  }
0x23: {  	s9 =	sor.u32 $0xD0000000, s2;
	s6 =	simm.s32 $0x108;
	_ =	swait.ge @!p0 [sflag:s8], $0x0  }
0x24: {  	s3 =	sadd.s32 $0x88, s3;
	s6 =	simm.s32 @!p1 $0x1082;
	[sflag:s4] =	ssyncset.s32 $0xFFFFF086  }
0x25: {  	[simem:s6], [sflag:s4] =	dma.local [hbm:s3], $0xF7A  }
0x26: {  	[smem:$0x3F8B] =	sst s1;
	(tag) =	ssettag s2;
	_ =	strace s9  }
0x27: {  	s1 =	sld [smem:$0x3F9B]  }
0x28: {  	s2 =	sld [smem:$0x3F9C]  }
0x29: {  	s4 =	sld [smem:$0x3F9E]  }
0x2a: {  	p0 =	seq.s32 s5, $0x0;
	s5 =	sld [smem:$0x3F9F]  }
0x2b: {  	s6 =	sld [smem:$0x3FA0]  }
0x2c: {  	s7 =	sld [smem:$0x3FA1]  }
0x2d: {  	s3 =	simm.s32 $0x108;
	s8 =	sld [smem:$0x3FA2]  }
0x2e: {  	s3 =	simm.s32 @!p0 $0x1082;
	s9 =	sld [smem:$0x3FA3]  }
0x2f: {  	lr =	sadd.s32 s0, s3;
	s0 =	sld [smem:$0x3F9A]  }
0x30: {  	s3 =	sld [smem:$0x3F9D]  }
0x31: {  	[smem:$0x3FA6] =	sst s10  }
0x32: {  	s10 =	sld [smem:$0x3FA4];
	_ =	sdelay $0x3  }
0x33: {  	p0 =	seq.s32 s10, $0x1;
	s10 =	sld [smem:$0x3FA6];
	_ =	sdelay $0x3  }
0x34: {  	[smem:$0x3FA6] =	sst s10  }
0x35: {  	s10 =	sld [smem:$0x3FA5];
	_ =	sdelay $0x3  }
0x36: {  	p1 =	seq.s32 s10, $0x1;
	s10 =	sld [smem:$0x3FA6];
	_ =	sdelay $0x3  }
0x37: {  	[smem:$0x3FA6] =	sst s10  }
0x38: {  	s10 =	sld [smem:$0x3FA7]  }
0x39: {  	_ = 	snop;
	(pc) =	sbr.ind lr, $3  }
0x3a: {  	_ = 	snop  }
0x3b: {  	_ = 	snop  }
0x3c: {  	p2 =	seq.s32 s10, $0x1;
	s10 =	sld [smem:$0x3FA6]  }
0x3d: {  	_ =	shalt  }
0x3e: {  	_ =	shalt  }
0x3f: {  	_ =	shalt  }
0x40: {  	_ =	shalt  }
0x41: {  	_ =	shalt  }
0x42: {  	_ =	shalt  }
0x43: {  	_ =	shalt  }
0x44: {  	_ =	shalt  }
0x45: {  	_ =	shalt  }
0x46: {  	_ =	shalt  }
0x47: {  	_ =	shalt  }
0x48: {  	_ =	shalt  }
0x49: {  	_ =	shalt  }
0x4a: {  	_ =	shalt  }
0x4b: {  	_ =	shalt  }
0x4c: {  	_ =	shalt  }
0x4d: {  	_ =	shalt  }
0x4e: {  	_ =	shalt  }
0x4f: {  	_ =	shalt  }
0x50: {  	_ =	shalt  }
0x51: {  	_ =	shalt  }
0x52: {  	_ =	shalt  }
0x53: {  	_ =	shalt  }
0x54: {  	_ =	shalt  }
0x55: {  	_ =	shalt  }
0x56: {  	_ =	shalt  }
0x57: {  	_ =	shalt  }
0x58: {  	_ =	shalt  }
0x59: {  	_ =	shalt  }
0x5a: {  	_ =	shalt  }
0x5b: {  	_ =	shalt  }
0x5c: {  	_ =	shalt  }
0x5d: {  	_ =	shalt  }
0x5e: {  	_ =	shalt  }
0x5f: {  	_ =	shalt  }
0x60: {  	_ =	shalt  }
0x61: {  	_ =	shalt  }
0x62: {  	_ =	shalt  }
0x63: {  	_ =	shalt  }
0x64: {  	_ =	shalt  }
0x65: {  	_ =	shalt  }
0x66: {  	_ =	shalt  }
0x67: {  	_ =	shalt  }
0x68: {  	_ =	shalt  }
0x69: {  	_ =	shalt  }
0x6a: {  	_ =	shalt  }
0x6b: {  	_ =	shalt  }
0x6c: {  	_ =	shalt  }
0x6d: {  	_ =	shalt  }
0x6e: {  	_ =	shalt  }
0x6f: {  	_ =	shalt  }
0x70: {  	_ =	shalt  }
0x71: {  	_ =	shalt  }
0x72: {  	_ =	shalt  }
0x73: {  	_ =	shalt  }
0x74: {  	_ =	shalt  }
0x75: {  	_ =	shalt  }
0x76: {  	_ =	shalt  }
0x77: {  	_ =	shalt  }
0x78: {  	_ =	shalt  }
0x79: {  	_ =	shalt  }
0x7a: {  	_ =	shalt  }
0x7b: {  	_ =	shalt  }
0x7c: {  	_ =	shalt  }
0x7d: {  	_ =	shalt  }
0x7e: {  	_ =	shalt  }
0x7f: {  	_ =	shalt  }
0x80: {  	_ =	shalt  }
0x81: {  	_ =	shalt  }
0x82: {  	_ =	shalt  }
0x83: {  	_ =	shalt  }
0x84: {  	_ =	shalt  }
0x85: {  	_ =	shalt  }
0x86: {  	_ =	shalt  }
0x87: {  	_ =	shalt  }
.Lfunc_end0:
.L_simem_size_0:
called_computation.1_lowered:
.L_overlay_start_0:
0x88: {  	s2 =	sld [smem:$0x3FD9]  }
0x89: {  	s3 =	sld [smem:$0x3FFE];
	_ =	sdelay $0x1  }
0x8a: {  	s1 =	srdreg.scid  }
0x8b: {  	s0 =	sand.u32 $0x1, s1  }
0x8c: {  	s17 =	sshll.u32 s0, $0xA;
	s2 =	sadd.s32 s3, s2  }
0x8d: {  	s2 =	sadd.s32 s2, s17  }
0x8e: {  	[smem:$0x3FB2] =	sst s2  }
0x8f: {  	_ = 	snop  }
0x90: {  	s2 =	sld [smem:$0x3FD0];
	(tm) =	ssettm $0x1  }
0x91: {  	s18 =	sld [smem:$0x3FFB];
	_ =	sdelay $0x3  }
0x92: {  	_ =	strace s18  }
0x93: {  	s3 =	sld [smem:$0x3FFC];
	_ =	sdelay $0x3  }
0x94: {  	_ =	strace s3  }
0x95: {  	s3 =	sld [smem:$0x3FFD];
	_ =	sdelay $0x3  }
0x96: {  	_ =	strace s3  }
0x97: {  	_ =	strace $0x8FFFFFFF  }
0x98: {  	s19 =	sld [smem:$0x3FDB];
	_ =	sdelay $0x1  }
0x99: {  	s4 =	simm.s32 $_scs_section_size  }
0x9a: {  	s5 =	simm.s32 $_size__tile_overlayer_lowered;
	s6 =	simm.s32 $_tile_overlayer_lowered  }
0x9b: {  	s22 =	simm.s32 $0x1BFF;
	s21 =	sshll.u32 s6, $0x1;
	s3 =	sadd.s32 s4, s19  }
0x9c: {  	s7 =	simm.s32 $0x0;
	s20 =	sshll.u32 s5, $0x1;
	s5 =	sadd.s32 s21, s3  }
0x9d: {  	[timem:s7], [sflag:s22] =	dma.local [hbm:s5], s20  }
0x9e: {  	_ =	swait.ge [sflag:s22], s20  }
0x9f: {  	s4 =	ssub.s32 $0x0, s20;
	[sflag:s22] =	ssyncset.done $0x0  }
0xa0: {  	[sflag:s22] =	ssyncadd.s32 s4;
	_ =	sdelay $0x1  }
0xa1: {  	s23 =	simm.s32 $0x1B8B  }
0xa2: {  	_ =	swait.ge [sflag:s23], $0x1  }
0xa3: {  	[sflag:s23] =	ssyncset.done $0x0  }
0xa4: {  	s25 =	simm.s32 $0x1B8E;
	s24 =	sld [smem:$0x3FFE];
	[sflag:s23] =	ssyncadd.s32 $0xFFFFFFFF  }
0xa5: {  	s26 =	simm.s32 $execute0_lowered;
	[smem:$0x3FD2] =	sst s25  }
0xa6: {  	s5 =	sshll.u32 s26, $0x1;
	_ =	strace $0x80000049;
	[dreg:$0x1] =	wrdreg $0xFFFFFFFF  }
0xa7: {  	s28 =	simm.s32 $_size_execute0_lowered;
	s3 =	sadd.s32 s3, s5;
	[dreg:$0x0] =	wrdreg $0x0  }
0xa8: {  	s5 =	sshll.u32 s28, $0x1;
	[dreg:$0x2] =	wrdreg s3  }
0xa9: {  	[dreg:$0x3] =	wrdreg s5  }
0xaa: {  	[dreg:$0x4] =	wrdreg $0xC0  }
0xab: {  	_ =	task [dreg:s7], $0x5FFFF  }
0xac: {  	[dreg:$0x1] =	wrdreg $0xFFFFFFFF  }
0xad: {  	[dreg:$0x0] =	wrdreg $0x60  }
0xae: {  	[dreg:$0x2] =	wrdreg s24  }
0xaf: {  	[dreg:$0x3] =	wrdreg s2  }
0xb0: {  	[dreg:$0x4] =	wrdreg $0x0  }
0xb1: {  	[dreg:$0x5] =	wrdreg $0x9  }
0xb2: {  	_ =	task.clear_ibuf [dreg:s7], $0x6FFFF;
	_ =	strace $0x90000049  }
0xb3: {  	s29 =	simm.s32 $0x9;
	_ =	strace $0x8000004B  }
0xb4: {  	_ =	swait.ge [sflag:s29], $0x1  }
0xb5: {  	[sflag:s29] =	ssyncadd.s32 $0xFFFFFFFF  }
0xb6: {  	_ =	strace $0x9000004B  }
0xb7: {  	_ =	sfence  }
0xb8: {  	s30 =	sld [smem:$0x0];
	_ =	sdelay $0x2  }
0xb9: {  	s31 =	sshll.u32 s1, $0xD;
	s1 =	sshrl.u32 s1, $0x2  }
0xba: {  	s3 =	sand.u32 $0x4000, s31;
	s1 =	sadd.s32 s1, s30  }
0xbb: {  	s0 =	sor.u32 s3, s0;
	s1 =	sshll.u32 s1, $0x11  }
0xbc: {  	s0 =	sor.u32 s1, s0  }
0xbd: {  	s0 =	sadd.s32 $0x8F2B, s0  }
0xbe: {  	[sflag:s0] =	ssyncadd.remote.s32 $0x1  }
0xbf: {  	_ =	sfence.sel $0xFFFF  }
0xc0: {  	[dreg:$0x0] =	wrdreg $0xFFFFFFFF;
	(pc) =	sbr.abs _section_cstart, $3  }
0xc1: {  	[dreg:$0x1] =	wrdreg $0xFFFFFFFF  }
0xc2: {  	_ =	task.clear_ibuf [dreg:s7], $0x2FFFF;
	_ =	strace $0x9FFFFFFF  }
0xc3: {  	(tm) =	ssettm $0x7FFFFFFF  }
tec
execute0_lowered:
.L_overlay_start_1:
0x0: {  	(tag) =	ssettag $0x1  }
0x1: {  	s5 =	rddreg [dreg:$0x0]  }
0x2: {  	s8 =	rddreg [dreg:$0x1];
	s1 =	srdreg.scid  }
0x3: {  	s0 =	stileid.u32;
	s2 =	rddreg [dreg:$0x2];
	s3 =	simm.s32 $0x0  }
0x4: {  	s15 =	simm.s32 $0x80;
	s16 =	simm.s32 $0x18900;
	s17 =	simm.s32 $0x1  }
0x5: {  	s18 =	simm.s32 $0x0;
	s6 =	sand.u32 $0x1, s1;
	s1 =	rddreg [dreg:$0x3]  }
0x6: {  	s4 =	sshll.u32 s0, $0x1;
	[smem:$0x7FF] =	sst s3;
	s9 =	smul.u32 $0x4E000, s0  }
0x7: {  	s10 =	sadd.s32 $0x3EC00, s5;
	s12 =	sadd.s32 $0x65E00, s5;
	s14 =	smul.u32 $0x2700, s0  }
0x8: {  	s31 =	sshll.u32 s0, $0x6;
	s4 =	sor.u32 s6, s4;
	_ =	strace $0x8000004A  }
0x9: {  	s11 =	ssub.s32 $0x2, s6;
	p0 =	seq.s32 s6, $0x0;
	s7 =	smul.u32 $0x500, s4  }
0xa: {  	s4 =	sadd.s32 $0x17A00, s5;
	s30 =	sshrl.u32 s11, $0x1;
	s9 =	sshrl.u32 s9, $0x2  }
0xb: {  	s12 =	smov.u32 @p0 s10;
	s11 =	ssub.s32 s11, s30;
	s13 =	sadd.s32 s9, s2  }
0xc: {  	s8 =	smov.u32 @p0 s4;
	s9 =	sor.u32 $0x1C02, s31;
	s10 =	sadd.s32 s12, s14  }
0xd: {  	s12 =	simm.s32 $0x2;
	s7 =	sadd.s32 s7, s5;
	s8 =	sadd.s32 s8, s14  }
0xe: {  	s14 =	simm.s32 $0x16100;
	s5 =	sadd.s32 $0xDA00, s7;
	s6 =	sadd.s32 $0x3A00, s7  }
0xf: {  	s7 =	smax.u32 s11, $0x1;
	s11 =	sshrl.u32 s13, $0x3;
	s13 =	simm.s32 $0x13900  }
.LBB2_1:
0x10: {  	[spmem:s11], [sflag:s9] =	dma.local [hbm:s8], $0x2800  }
0x11: {  	_ =	swait.ge [sflag:s12], $0x2800  }
0x12: {  	[sflag:s12] =	ssyncset.done $0x0  }
0x13: {  	[sflag:s12] =	ssyncadd.s32 $0xFFFFD800  }
0x14: {  	[tilespmem:s13], [sflag:$0x2] =	stream.linear.gather [hbm4b:s5+s3], $0x2780, $0x38;
	[tilespmem:$0x1C900] =	vst v63  }
0x15: {  	_ =	swait.ge [sflag:s12], $0x2780  }
0x16: {  	[sflag:s12] =	ssyncset.done $0x0  }
0x17: {  	[sflag:s12] =	ssyncadd.s32 $0xFFFFD880  }
0x18: {  	[tilespmem:s14], [sflag:$0x2] =	stream.linear.gather [hbm4b:s6+s3], $0x2780, $0x38;
	[tilespmem:$0x1C900] =	vst v63  }
0x19: {  	_ =	swait.ge [sflag:s12], $0x2780  }
0x1a: {  	[sflag:s12] =	ssyncset.done $0x0  }
0x1b: {  	[sflag:s12] =	ssyncadd.s32 $0xFFFFD880  }
0x1c: {  	s19 =	simm.s32 $0x13900;
	[bflag:$0x0] =	sbarrier.arrive $0xFFFF  }
0x1d: {  	[tilespmem:s16], [sflag:$0x1] =	stream.indirect.gather [hbm4b:s4+s15], $0x80, s19, s15, $0xb8;
	[tilespmem:$0x1C900] =	vst v63  }
0x1e: {  	_ =	swait.ge [sflag:s17], $0x4000  }
0x1f: {  	[sflag:s17] =	ssyncset.done $0x0  }
0x20: {  	s31 =	simm.s32 $0x16100;
	[sflag:s17] =	ssyncadd.s32 $0xFFFFC000  }
0x21: {  	[spmem:s2] =	stream.indirect.scatter.add.f32 [tilespmem:s16], [sflag:$0x2], $0x80, s31, s15, $0xb8;
	[tilespmem:$0x1C900] =	vst v63  }
0x22: {  	_ =	swait.ge [sflag:s12], $0x4000  }
0x23: {  	s20 =	simm.s32 $0x400;
	s19 =	simm.s32 $0x80;
	[sflag:s12] =	ssyncset.done $0x0  }
.LBB2_2:
0x24: {  	s21 =	sadd.s32 $0x13900, s19  }
0x25: {  	[sflag:s12] =	ssyncadd.s32 $0xFFFFC000;
	s22 =	smov.u32 s20;
	s23 =	sadd.s32 $0x200, s20  }
0x26: {  	[tilespmem:s16], [sflag:$0x1] =	stream.indirect.gather [hbm4b:s4+s15], $0x80, s21, s15, $0xb8;
	[tilespmem:$0x1C900] =	vst v63  }
0x27: {  	p0 =	sne.s32 s20, $0x9C00;
	_ =	swait.ge [sflag:s17], $0x4000  }
.Ltmp0:
0x28: {  	[sflag:s17] =	ssyncset.done $0x0;
	(pc) =	sbr.rel @p0 .LBB2_2-.Ltmp0, $4  }
0x29: {  	s19 =	sadd.s32 $0x16100, s19;
	[sflag:s17] =	ssyncadd.s32 $0xFFFFC000  }
0x2a: {  	[spmem:s2] =	stream.indirect.scatter.add.f32 [tilespmem:s16], [sflag:$0x2], $0x80, s19, s15, $0xb8;
	[tilespmem:$0x1C900] =	vst v63  }
0x2b: {  	_ =	swait.ge [sflag:s12], $0x4000  }
0x2c: {  	s20 =	smov.u32 s23;
	s19 =	sshra.s32 s22, $0x2;
	[sflag:s12] =	ssyncset.done $0x0  }
0x2d: {  	s20 =	sadd.s32 $0x13900, s19;
	[sflag:s12] =	ssyncadd.s32 $0xFFFFC000  }
0x2e: {  	[tilespmem:s16], [sflag:$0x1] =	stream.indirect.gather [hbm4b:s4+s15], $0x80, s20, s15, $0xb8;
	[tilespmem:$0x1C900] =	vst v63  }
0x2f: {  	_ =	swait.ge [sflag:s17], $0x4000  }
0x30: {  	[sflag:s17] =	ssyncset.done $0x0  }
0x31: {  	s31 =	sadd.s32 $0x16100, s19;
	[sflag:s17] =	ssyncadd.s32 $0xFFFFC000  }
0x32: {  	[spmem:s2] =	stream.indirect.scatter.add.f32 [tilespmem:s16], [sflag:$0x2], $0x80, s31, s15, $0xb8;
	[tilespmem:$0x1C900] =	vst v63  }
0x33: {  	_ =	swait.ge [sflag:s12], $0x4000  }
0x34: {  	s18 =	sadd.s32 $0x1, s18;
	[sflag:s12] =	ssyncset.done $0x0  }
0x35: {  	p0 =	sne.s32 s18, s7;
	[sflag:s12] =	ssyncadd.s32 $0xFFFFC000  }
.Ltmp1:
0x36: {  	[bflag:$0x0] =	sbarrier.arrive $0xFFFF;
	(pc) =	sbr.rel @p0 .LBB2_1-.Ltmp1, $4  }
0x37: {  	[hbm:s10], [sflag:s9] =	dma.local [spmem:s11], $0x2800  }
0x38: {  	_ =	swait.ge [sflag:s12], $0x2800  }
0x39: {  	[sflag:s12] =	ssyncset.done $0x0  }
0x3a: {  	[sflag:s12] =	ssyncadd.s32 $0xFFFFD800  }
0x3b: {  	_ =	sfence.sel $0x180000  }
0x3c: {  	[bflag:$0x0] =	sbarrier.arrive $0xFFFF  }
0x3d: {  	p0 =	sne.s32 s0, $0x0;
	_ =	strace $0x9000004A  }
0x3e: {  	s0 =	sadd.s32 @!p0 $0x100000, s1;
	[bflag:$0x2] =	sbarrier.arrive $0xFFFF  }
0x3f: {  	[sflag:s0] =	ssyncadd.tile.s32 @!p0 $0x1;
	_ =	shalt  }
.Lfunc_end2:
_tile_overlayer_lowered:
.L_overlay_start_2:
0x40: {  	(tag) =	ssettag $0x2  }
0x41: {  	s0 =	rddreg [dreg:$0x0];
	s2 =	stileid.u32  }
0x42: {  	s1 =	rddreg [dreg:$0x1];
	p0 =	sne.s32 s2, $0x0  }
0x43: {  	s3 =	rddreg [dreg:$0x2];
	[bflag:$0x3] =	sbarrier.arrive $0xFFFF;
	s2 =	simm.s32 @!p0 $0x1C02  }
0x44: {  	[timem:s3], [sflag:s2] =	dma.local @!p0 [hbm:s0], s1  }
0x45: {  	s0 =	simm.s32 @!p0 $0x2  }
0x46: {  	_ =	swait.ge @!p0 [sflag:s0], s1  }
0x47: {  	s1 =	ssub.s32 @!p0 $0x0, s1;
	[sflag:s0] =	ssyncset.done @!p0 $0x0  }
0x48: {  	[sflag:s0] =	ssyncadd.s32 @!p0 s1  }
0x49: {  	[bflag:$0x3] =	sbarrier.arrive $0xFFFF  }
0x4a: {  	_ =	shalt  }

</sc_bundles>
